<compile_context>
chip_gen: v7x
topology: tpu7x:2x2x1
jax: 0.10.2.dev20260603
libtpu: 0.0.44.dev20260713+nightly
codegen_flags: <defaults>
</compile_context>

<pallas_src>
import functools

import jax
import jax.numpy as jnp
from jax import lax
from jax.experimental import pallas as pl
from jax.experimental.pallas import tpu as pltpu
from jax.experimental.pallas import tpu_sc as plsc

_NBUF = 3
_AHEAD = 2
_CHUNK = 32


def _make_sc_embed(batch: int, s: int, vocab: int, d: int, seq: int):
  info = plsc.get_sparse_core_info()
  nc, ns = info.num_cores, info.num_subcores
  nw = nc * ns
  n_ids = batch * s
  assert n_ids % nw == 0
  ids_per_w = n_ids // nw
  w_per_row = s // ids_per_w
  assert s % ids_per_w == 0
  chunk = _CHUNK
  n_chunks = ids_per_w // chunk
  assert ids_per_w % chunk == 0
  assert seq % nw == 0
  pos_per_w = seq // nw
  n_pos_chunks = pos_per_w // chunk
  assert pos_per_w % chunk == 0

  mesh = plsc.VectorSubcoreMesh(core_axis_name="c", subcore_axis_name="s")

  @functools.partial(
      pl.kernel,
      mesh=mesh,
      out_type=jax.ShapeDtypeStruct((n_ids, d), jnp.float32),
      scratch_types=[
          pltpu.VMEM((ids_per_w,), jnp.int32),
          *[pltpu.VMEM((chunk, d), jnp.float32) for _ in range(_NBUF)],
          *[pltpu.SemaphoreType.DMA for _ in range(2 * _NBUF)],
      ],
  )
  def sc_embed(ids_hbm, table_hbm, out_ids, idx_v, *bufs_and_sems):
    bufs = bufs_and_sems[:_NBUF]
    gsems = bufs_and_sems[_NBUF:2 * _NBUF]
    wsems = bufs_and_sems[2 * _NBUF:]

    wid = lax.axis_index("s") * nc + lax.axis_index("c")
    base = wid * ids_per_w

    pltpu.sync_copy(
        ids_hbm.at[wid // w_per_row,
                   pl.ds((wid % w_per_row) * ids_per_w, ids_per_w)], idx_v)

    def run_pipeline(n, start_read, start_write):
      assert n > _NBUF
      for b in range(_AHEAD):
        start_read(b, bufs[b], gsems[b])

      def step(c, b):
        rb = (b + _AHEAD) % _NBUF
        static = isinstance(c, int)

        def _issue_read():
          def _drain_prev_write():
            pltpu.make_async_copy(bufs[rb], _wdst(c + _AHEAD - _NBUF),
                                  wsems[rb]).wait()
          if static:
            if c + _AHEAD >= _NBUF:
              _drain_prev_write()
          else:
            pl.when(c + _AHEAD >= _NBUF)(_drain_prev_write)
          start_read(c + _AHEAD, bufs[rb], gsems[rb])

        if static:
          if c + _AHEAD < n:
            _issue_read()
        else:
          pl.when(c + _AHEAD < n)(_issue_read)

        pltpu.make_async_copy(_rsrc(c), bufs[b], gsems[b]).wait()
        start_write(c, bufs[b], wsems[b])

      n_main = (n // _NBUF) * _NBUF

      def loop_body(g, carry):
        for b in range(_NBUF):
          step(g * _NBUF + b, b)
        return carry

      lax.fori_loop(0, n // _NBUF, loop_body, 0)
      for c in range(n_main, n):
        step(c, c % _NBUF)
      for i in range(_NBUF):
        c_last = n - _NBUF + i
        pltpu.make_async_copy(bufs[c_last % _NBUF], _wdst(c_last),
                              wsems[c_last % _NBUF]).wait()

    def _rsrc(c):
      return table_hbm.at[idx_v.at[pl.ds(c * chunk, chunk)]]

    def _wdst(c):
      return out_ids.at[pl.ds(base + c * chunk, chunk)]

    def g_read(c, buf, sem):
      pltpu.async_copy(_rsrc(c), buf, sem)

    def g_write(c, buf, sem):
      pltpu.make_async_copy(buf, _wdst(c), sem).start()

    run_pipeline(n_chunks, g_read, g_write)

  return sc_embed


def _make_tc_pos_copy(seq: int, d: int, block: int = 1024):
  assert seq % block == 0

  def body(src_ref, dst_ref):
    dst_ref[...] = src_ref[...]

  return pl.pallas_call(
      body,
      grid=(seq // block,),
      in_specs=[pl.BlockSpec((block, d), lambda i: (i, 0))],
      out_specs=pl.BlockSpec((block, d), lambda i: (i, 0)),
      out_shape=jax.ShapeDtypeStruct((seq, d), jnp.float32),
  )


def kernel(ids, ids_table, pos_table):
  b, s = ids.shape
  vocab, d = ids_table.shape
  sc_embed = _make_sc_embed(b, s, vocab, d, s)
  ids_emb = sc_embed(ids.astype(jnp.int32), ids_table)
  pos_src = pos_table if pos_table.shape[0] == s else pos_table[:s]
  pos_emb = _make_tc_pos_copy(s, d)(pos_src)
  return ids_emb.reshape(b, s, d), pos_emb[None]

# --- scband reference (transcript-rebuilt; emitter-appended) ---
"""Pipeline reference for scband-embeddings-214748365100 (READ-ONLY COPY).

The authoritative reference and input builder live on the scoring server;
editing this copy changes nothing except your own understanding.
"""

import jax, jax.numpy as jnp
import numpy as np

VOCAB_SIZE = 100000
HIDDEN_SIZE = 1024
PAD_TOKEN_ID = 0
MAX_POS = 8192
BATCH = 4
SEQ_LEN = 8192


def setup_inputs(seed: int = 0) -> dict:
    key = jax.random.key(seed)
    k_ids, k_tab, k_pos = jax.random.split(key, 3)
    ids = jax.random.randint(k_ids, (BATCH, SEQ_LEN), 0, VOCAB_SIZE, dtype=jnp.int64 if jax.config.jax_enable_x64 else jnp.int32)
    ids_table = jax.random.normal(k_tab, (VOCAB_SIZE, HIDDEN_SIZE), dtype=jnp.float32)
    # nn.Embedding with padding_idx initializes the padding row to zeros
    ids_table = ids_table.at[PAD_TOKEN_ID].set(0.0)
    pos_table = jax.random.normal(k_pos, (MAX_POS, HIDDEN_SIZE), dtype=jnp.float32)
    return {"ids": ids, "ids_table": ids_table, "pos_table": pos_table}


def reference(ids, ids_table, pos_table):
    # ids_embedding = self.ids_embedding(ids)
    ids_embedding = jnp.take(ids_table, ids, axis=0)
    # pos_embedding = self.pos_embedding(arange(seq_len).unsqueeze(0))
    positions = jnp.arange(ids.shape[-1])[None, :]
    pos_embedding = jnp.take(pos_table, positions, axis=0)
    # SeparatedInput(ids_embedding, pos_embedding) -> tuple of the two tensors
    return (ids_embedding, pos_embedding)

if __name__ == "__main__":
    import jax
    _d = setup_inputs()
    print(jax.jit(kernel)(*tuple(_d.values())))

</pallas_src>

<mosaic_0001>
#map = affine_map<(d0, d1) -> (0, 0)>
module attributes {stable_mosaic.version = 14 : i64} {
  func.func @sc_embed(%arg0: i32, %arg1: i32, %arg2: memref<4x8192xi32, #tpu.memory_space<hbm>>, %arg3: memref<100000x1024xf32, #tpu.memory_space<hbm>>, %arg4: memref<32768x1024xf32, #tpu.memory_space<hbm>>, %arg5: memref<1024xi32, #tpu.memory_space<vmem>>, %arg6: memref<32x1024xf32, #tpu.memory_space<vmem>>, %arg7: memref<32x1024xf32, #tpu.memory_space<vmem>>, %arg8: memref<32x1024xf32, #tpu.memory_space<vmem>>, %arg9: memref<!tpu.dma_semaphore, #tpu.memory_space<semaphore_mem>>, %arg10: memref<!tpu.dma_semaphore, #tpu.memory_space<semaphore_mem>>, %arg11: memref<!tpu.dma_semaphore, #tpu.memory_space<semaphore_mem>>, %arg12: memref<!tpu.dma_semaphore, #tpu.memory_space<semaphore_mem>>, %arg13: memref<!tpu.dma_semaphore, #tpu.memory_space<semaphore_mem>>, %arg14: memref<!tpu.dma_semaphore, #tpu.memory_space<semaphore_mem>>) attributes {dimension_semantics = [#tpu.dimension_semantics<core_parallel>, #tpu.dimension_semantics<subcore_parallel>], iteration_bounds = array<i64: 2, 16>, scalar_prefetch = 0 : i64, scratch_operands = 10 : i64, tpu.core_type = #tpu.core_type<sc_vector_subcore>, window_params = [{transform_indices = #map}, {transform_indices = #map}, {transform_indices = #map}]} {
    %mul3A = arith.constant 2 : i32
    %mul3A_0 = arith.muli %arg1, %mul3A : i32
    %add3A = arith.addi %mul3A_0, %arg0 : i32
    %mul3A_1 = arith.constant 1024 : i32
    %mul3A_2 = arith.muli %add3A, %mul3A_1 : i32
    %jit3A = arith.constant 8 : i32
    %div3A = arith.divsi %add3A, %jit3A : i32
    %sign3A = arith.constant 0 : i32
    %sign3A_3 = arith.cmpi sgt, %add3A, %sign3A : i32
    %sign3A_4 = arith.extui %sign3A_3 : i1 to i32
    %sign3A_5 = arith.constant 0 : i32
    %sign3A_6 = arith.cmpi slt, %add3A, %sign3A_5 : i32
    %sign3A_7 = arith.extui %sign3A_6 : i1 to i32
    %sign3A_8 = arith.subi %sign3A_4, %sign3A_7 : i32
    %sign3A_9 = arith.constant 0 : i32
    %sign3A_10 = arith.cmpi sgt, %jit3A, %sign3A_9 : i32
    %sign3A_11 = arith.extui %sign3A_10 : i1 to i32
    %sign3A_12 = arith.constant 0 : i32
    %sign3A_13 = arith.cmpi slt, %jit3A, %sign3A_12 : i32
    %sign3A_14 = arith.extui %sign3A_13 : i1 to i32
    %sign3A_15 = arith.subi %sign3A_11, %sign3A_14 : i32
    %ne3A = arith.cmpi ne, %sign3A_8, %sign3A_15 : i32
    %rem3A = arith.remsi %add3A, %jit3A : i32
    %ne3A_16 = arith.constant 0 : i32
    %ne3A_17 = arith.cmpi ne, %rem3A, %ne3A_16 : i32
    %and3A = arith.andi %ne3A, %ne3A_17 : i1
    %sub3A = arith.constant 1 : i32
    %sub3A_18 = arith.subi %div3A, %sub3A : i32
    %select_n3A = arith.select %and3A, %sub3A_18, %div3A : i32
    %jit3A_19 = arith.constant 8 : i32
    %eq3A = arith.constant 0 : i32
    %eq3A_20 = arith.cmpi eq, %jit3A_19, %eq3A : i32
    %jit3A_21 = arith.constant 1 : i32
    %select_n3A_22 = arith.select %eq3A_20, %jit3A_21, %jit3A_19 : i32
    %rem3A_23 = arith.remsi %add3A, %select_n3A_22 : i32
    %ne3A_24 = arith.constant 0 : i32
    %ne3A_25 = arith.cmpi ne, %rem3A_23, %ne3A_24 : i32
    %lt3A = arith.constant 0 : i32
    %lt3A_26 = arith.cmpi slt, %rem3A_23, %lt3A : i32
    %lt3A_27 = arith.constant 0 : i32
    %lt3A_28 = arith.cmpi slt, %select_n3A_22, %lt3A_27 : i32
    %ne3A_29 = arith.xori %lt3A_26, %lt3A_28 : i1
    %and3A_30 = arith.andi %ne3A_29, %ne3A_25 : i1
    %add3A_31 = arith.addi %rem3A_23, %select_n3A_22 : i32
    %select_n3A_32 = arith.select %and3A_30, %add3A_31, %rem3A_23 : i32
    %mul3A_33 = arith.constant 1024 : i32
    %mul3A_34 = arith.muli %select_n3A_32, %mul3A_33 : i32
    "tpu.region"() ({
      %run_scoped3A = tpu.sem_alloc : memref<!tpu.dma_semaphore, #tpu.memory_space<semaphore_mem>>
      %dma_start3A_88 = tpu.memref_slice %arg2[%select_n3A, %mul3A_34] : memref<4x8192xi32, #tpu.memory_space<hbm>> -> memref<1x1024xi32, #tpu.memory_space<hbm>>
      %dma_start3A_89 = tpu.memref_squeeze %dma_start3A_88 : memref<1x1024xi32, #tpu.memory_space<hbm>> -> memref<1024xi32, #tpu.memory_space<hbm>>
      %dma_start3A_90 = tpu.memref_slice %arg2[%select_n3A, %mul3A_34] : memref<4x8192xi32, #tpu.memory_space<hbm>> -> memref<1x1024xi32, #tpu.memory_space<hbm>>
      %dma_start3A_91 = tpu.memref_squeeze %dma_start3A_90 : memref<1x1024xi32, #tpu.memory_space<hbm>> -> memref<1024xi32, #tpu.memory_space<hbm>>
      tpu.enqueue_dma source(%dma_start3A_91 : memref<1024xi32, #tpu.memory_space<hbm>>) target(%arg5 : memref<1024xi32, #tpu.memory_space<vmem>>) target_semaphore(%run_scoped3A : memref<!tpu.dma_semaphore, #tpu.memory_space<semaphore_mem>>)
      %dma_wait3A_92 = tpu.memref_slice %arg2[%select_n3A, %mul3A_34] : memref<4x8192xi32, #tpu.memory_space<hbm>> -> memref<1x1024xi32, #tpu.memory_space<hbm>>
      %dma_wait3A_93 = tpu.memref_squeeze %dma_wait3A_92 : memref<1x1024xi32, #tpu.memory_space<hbm>> -> memref<1024xi32, #tpu.memory_space<hbm>>
      %dma_wait3A_94 = tpu.memref_slice %arg2[%select_n3A, %mul3A_34] : memref<4x8192xi32, #tpu.memory_space<hbm>> -> memref<1x1024xi32, #tpu.memory_space<hbm>>
      %dma_wait3A_95 = tpu.memref_squeeze %dma_wait3A_94 : memref<1x1024xi32, #tpu.memory_space<hbm>> -> memref<1024xi32, #tpu.memory_space<hbm>>
      tpu.wait_dma2 semaphore(%run_scoped3A : memref<!tpu.dma_semaphore, #tpu.memory_space<semaphore_mem>>) src(%dma_wait3A_95 : memref<1024xi32, #tpu.memory_space<hbm>>) dst(%arg5 : memref<1024xi32, #tpu.memory_space<vmem>>)
      tpu.yield
    }) : () -> ()
    %dma_start3A = arith.constant 0 : i32
    %dma_start3A_35 = tpu.memref_slice %arg5[%dma_start3A] : memref<1024xi32, #tpu.memory_space<vmem>> -> memref<32xi32, #tpu.memory_space<vmem>>
    %dma_start3A_36 = arith.constant 0 : i32
    %dma_start3A_37 = arith.constant 0 : i32
    %dma_start3A_38 = tpu.memref_slice %arg3[%dma_start3A_36, %dma_start3A_37] : memref<100000x1024xf32, #tpu.memory_space<hbm>> -> memref<100000x1024xf32, #tpu.memory_space<hbm>>
    tpu.enqueue_indirect_dma source(%dma_start3A_38 : memref<100000x1024xf32, #tpu.memory_space<hbm>>) target(%arg6 : memref<32x1024xf32, #tpu.memory_space<vmem>>) offsets(%dma_start3A_35 : memref<32xi32, #tpu.memory_space<vmem>>) semaphore(%arg9 : memref<!tpu.dma_semaphore, #tpu.memory_space<semaphore_mem>>)
    %dma_start3A_39 = arith.constant 32 : i32
    %dma_start3A_40 = tpu.memref_slice %arg5[%dma_start3A_39] : memref<1024xi32, #tpu.memory_space<vmem>> -> memref<32xi32, #tpu.memory_space<vmem>>
    %dma_start3A_41 = arith.constant 0 : i32
    %dma_start3A_42 = arith.constant 0 : i32
    %dma_start3A_43 = tpu.memref_slice %arg3[%dma_start3A_41, %dma_start3A_42] : memref<100000x1024xf32, #tpu.memory_space<hbm>> -> memref<100000x1024xf32, #tpu.memory_space<hbm>>
    tpu.enqueue_indirect_dma source(%dma_start3A_43 : memref<100000x1024xf32, #tpu.memory_space<hbm>>) target(%arg7 : memref<32x1024xf32, #tpu.memory_space<vmem>>) offsets(%dma_start3A_40 : memref<32xi32, #tpu.memory_space<vmem>>) semaphore(%arg10 : memref<!tpu.dma_semaphore, #tpu.memory_space<semaphore_mem>>)
    %scan3A = arith.constant 0 : i32
    %scan3A_44 = arith.constant 0 : i32
    %scan3A_45 = arith.constant 10 : i32
    %scan3A_46 = arith.addi %scan3A_44, %scan3A_45 : i32
    %scan3A_47 = arith.constant 1 : i32
    scf.for %scan3A_88 = %scan3A_44 to %scan3A_46 step %scan3A_47  : i32 {
      %mul3A_89 = arith.constant 3 : i32
      %mul3A_90 = arith.muli %scan3A_88, %mul3A_89 : i32
      %add3A_91 = arith.constant 0 : i32
      %add3A_92 = arith.addi %mul3A_90, %add3A_91 : i32
      %add3A_93 = arith.constant 2 : i32
      %add3A_94 = arith.addi %add3A_92, %add3A_93 : i32
      %lt3A_95 = arith.constant 32 : i32
      %lt3A_96 = arith.cmpi slt, %add3A_94, %lt3A_95 : i32
      %convert_element_type3A = arith.extui %lt3A_96 : i1 to i32
      %cond3A = arith.constant 0 : i32
      %cond3A_97 = arith.cmpi ne, %convert_element_type3A, %cond3A : i32
      scf.if %cond3A_97 {
        %add3A_159 = arith.constant 2 : i32
        %add3A_160 = arith.addi %add3A_92, %add3A_159 : i32
        %ge3A = arith.constant 3 : i32
        %ge3A_161 = arith.cmpi sge, %add3A_160, %ge3A : i32
        %convert_element_type3A_162 = arith.extui %ge3A_161 : i1 to i32
        %cond3A_163 = arith.constant 0 : i32
        %cond3A_164 = arith.cmpi ne, %convert_element_type3A_162, %cond3A_163 : i32
        scf.if %cond3A_164 {
          %add3A_173 = arith.constant 2 : i32
          %add3A_174 = arith.addi %add3A_92, %add3A_173 : i32
          %sub3A_175 = arith.constant 3 : i32
          %sub3A_176 = arith.subi %add3A_174, %sub3A_175 : i32
          %mul3A_177 = arith.constant 32 : i32
          %mul3A_178 = arith.muli %sub3A_176, %mul3A_177 : i32
          %add3A_179 = arith.addi %mul3A_2, %mul3A_178 : i32
          %dma_wait3A_180 = arith.constant 0 : i32
          %dma_wait3A_181 = tpu.memref_slice %arg4[%add3A_179, %dma_wait3A_180] : memref<32768x1024xf32, #tpu.memory_space<hbm>> -> memref<32x1024xf32, #tpu.memory_space<hbm>>
          %dma_wait3A_182 = arith.constant 0 : i32
          %dma_wait3A_183 = tpu.memref_slice %arg4[%add3A_179, %dma_wait3A_182] : memref<32768x1024xf32, #tpu.memory_space<hbm>> -> memref<32x1024xf32, #tpu.memory_space<hbm>>
          tpu.wait_dma2 semaphore(%arg14 : memref<!tpu.dma_semaphore, #tpu.memory_space<semaphore_mem>>) src(%arg8 : memref<32x1024xf32, #tpu.memory_space<vmem>>) dst(%dma_wait3A_183 : memref<32x1024xf32, #tpu.memory_space<hbm>>)
        } else {
        }
        %add3A_165 = arith.constant 2 : i32
        %add3A_166 = arith.addi %add3A_92, %add3A_165 : i32
        %mul3A_167 = arith.constant 32 : i32
        %mul3A_168 = arith.muli %add3A_166, %mul3A_167 : i32
        %dma_start3A_169 = tpu.memref_slice %arg5[%mul3A_168] : memref<1024xi32, #tpu.memory_space<vmem>> -> memref<32xi32, #tpu.memory_space<vmem>>
        %dma_start3A_170 = arith.constant 0 : i32
        %dma_start3A_171 = arith.constant 0 : i32
        %dma_start3A_172 = tpu.memref_slice %arg3[%dma_start3A_170, %dma_start3A_171] : memref<100000x1024xf32, #tpu.memory_space<hbm>> -> memref<100000x1024xf32, #tpu.memory_space<hbm>>
        tpu.enqueue_indirect_dma source(%dma_start3A_172 : memref<100000x1024xf32, #tpu.memory_space<hbm>>) target(%arg8 : memref<32x1024xf32, #tpu.memory_space<vmem>>) offsets(%dma_start3A_169 : memref<32xi32, #tpu.memory_space<vmem>>) semaphore(%arg11 : memref<!tpu.dma_semaphore, #tpu.memory_space<semaphore_mem>>)
      } else {
      }
      %mul3A_98 = arith.constant 32 : i32
      %mul3A_99 = arith.muli %add3A_92, %mul3A_98 : i32
      %dma_wait3A_100 = tpu.memref_slice %arg5[%mul3A_99] : memref<1024xi32, #tpu.memory_space<vmem>> -> memref<32xi32, #tpu.memory_space<vmem>>
      %dma_wait3A_101 = arith.constant 0 : i32
      %dma_wait3A_102 = arith.constant 0 : i32
      %dma_wait3A_103 = tpu.memref_slice %arg3[%dma_wait3A_101, %dma_wait3A_102] : memref<100000x1024xf32, #tpu.memory_space<hbm>> -> memref<100000x1024xf32, #tpu.memory_space<hbm>>
      tpu.wait_indirect_dma semaphore(%arg9 : memref<!tpu.dma_semaphore, #tpu.memory_space<semaphore_mem>>) src(%dma_wait3A_103 : memref<100000x1024xf32, #tpu.memory_space<hbm>>) dst(%arg6 : memref<32x1024xf32, #tpu.memory_space<vmem>>)
      %mul3A_104 = arith.constant 32 : i32
      %mul3A_105 = arith.muli %add3A_92, %mul3A_104 : i32
      %add3A_106 = arith.addi %mul3A_2, %mul3A_105 : i32
      %dma_start3A_107 = arith.constant 0 : i32
      %dma_start3A_108 = tpu.memref_slice %arg4[%add3A_106, %dma_start3A_107] : memref<32768x1024xf32, #tpu.memory_space<hbm>> -> memref<32x1024xf32, #tpu.memory_space<hbm>>
      %dma_start3A_109 = arith.constant 0 : i32
      %dma_start3A_110 = tpu.memref_slice %arg4[%add3A_106, %dma_start3A_109] : memref<32768x1024xf32, #tpu.memory_space<hbm>> -> memref<32x1024xf32, #tpu.memory_space<hbm>>
      tpu.enqueue_dma source(%arg6 : memref<32x1024xf32, #tpu.memory_space<vmem>>) target(%dma_start3A_110 : memref<32x1024xf32, #tpu.memory_space<hbm>>) target_semaphore(%arg12 : memref<!tpu.dma_semaphore, #tpu.memory_space<semaphore_mem>>)
      %mul3A_111 = arith.constant 3 : i32
      %mul3A_112 = arith.muli %scan3A_88, %mul3A_111 : i32
      %add3A_113 = arith.constant 1 : i32
      %add3A_114 = arith.addi %mul3A_112, %add3A_113 : i32
      %add3A_115 = arith.constant 2 : i32
      %add3A_116 = arith.addi %add3A_114, %add3A_115 : i32
      %lt3A_117 = arith.constant 32 : i32
      %lt3A_118 = arith.cmpi slt, %add3A_116, %lt3A_117 : i32
      %convert_element_type3A_119 = arith.extui %lt3A_118 : i1 to i32
      %cond3A_120 = arith.constant 0 : i32
      %cond3A_121 = arith.cmpi ne, %convert_element_type3A_119, %cond3A_120 : i32
      scf.if %cond3A_121 {
        %add3A_159 = arith.constant 2 : i32
        %add3A_160 = arith.addi %add3A_114, %add3A_159 : i32
        %ge3A = arith.constant 3 : i32
        %ge3A_161 = arith.cmpi sge, %add3A_160, %ge3A : i32
        %convert_element_type3A_162 = arith.extui %ge3A_161 : i1 to i32
        %cond3A_163 = arith.constant 0 : i32
        %cond3A_164 = arith.cmpi ne, %convert_element_type3A_162, %cond3A_163 : i32
        scf.if %cond3A_164 {
          %add3A_173 = arith.constant 2 : i32
          %add3A_174 = arith.addi %add3A_114, %add3A_173 : i32
          %sub3A_175 = arith.constant 3 : i32
          %sub3A_176 = arith.subi %add3A_174, %sub3A_175 : i32
          %mul3A_177 = arith.constant 32 : i32
          %mul3A_178 = arith.muli %sub3A_176, %mul3A_177 : i32
          %add3A_179 = arith.addi %mul3A_2, %mul3A_178 : i32
          %dma_wait3A_180 = arith.constant 0 : i32
          %dma_wait3A_181 = tpu.memref_slice %arg4[%add3A_179, %dma_wait3A_180] : memref<32768x1024xf32, #tpu.memory_space<hbm>> -> memref<32x1024xf32, #tpu.memory_space<hbm>>
          %dma_wait3A_182 = arith.constant 0 : i32
          %dma_wait3A_183 = tpu.memref_slice %arg4[%add3A_179, %dma_wait3A_182] : memref<32768x1024xf32, #tpu.memory_space<hbm>> -> memref<32x1024xf32, #tpu.memory_space<hbm>>
          tpu.wait_dma2 semaphore(%arg12 : memref<!tpu.dma_semaphore, #tpu.memory_space<semaphore_mem>>) src(%arg6 : memref<32x1024xf32, #tpu.memory_space<vmem>>) dst(%dma_wait3A_183 : memref<32x1024xf32, #tpu.memory_space<hbm>>)
        } else {
        }
        %add3A_165 = arith.constant 2 : i32
        %add3A_166 = arith.addi %add3A_114, %add3A_165 : i32
        %mul3A_167 = arith.constant 32 : i32
        %mul3A_168 = arith.muli %add3A_166, %mul3A_167 : i32
        %dma_start3A_169 = tpu.memref_slice %arg5[%mul3A_168] : memref<1024xi32, #tpu.memory_space<vmem>> -> memref<32xi32, #tpu.memory_space<vmem>>
        %dma_start3A_170 = arith.constant 0 : i32
        %dma_start3A_171 = arith.constant 0 : i32
        %dma_start3A_172 = tpu.memref_slice %arg3[%dma_start3A_170, %dma_start3A_171] : memref<100000x1024xf32, #tpu.memory_space<hbm>> -> memref<100000x1024xf32, #tpu.memory_space<hbm>>
        tpu.enqueue_indirect_dma source(%dma_start3A_172 : memref<100000x1024xf32, #tpu.memory_space<hbm>>) target(%arg6 : memref<32x1024xf32, #tpu.memory_space<vmem>>) offsets(%dma_start3A_169 : memref<32xi32, #tpu.memory_space<vmem>>) semaphore(%arg9 : memref<!tpu.dma_semaphore, #tpu.memory_space<semaphore_mem>>)
      } else {
      }
      %mul3A_122 = arith.constant 32 : i32
      %mul3A_123 = arith.muli %add3A_114, %mul3A_122 : i32
      %dma_wait3A_124 = tpu.memref_slice %arg5[%mul3A_123] : memref<1024xi32, #tpu.memory_space<vmem>> -> memref<32xi32, #tpu.memory_space<vmem>>
      %dma_wait3A_125 = arith.constant 0 : i32
      %dma_wait3A_126 = arith.constant 0 : i32
      %dma_wait3A_127 = tpu.memref_slice %arg3[%dma_wait3A_125, %dma_wait3A_126] : memref<100000x1024xf32, #tpu.memory_space<hbm>> -> memref<100000x1024xf32, #tpu.memory_space<hbm>>
      tpu.wait_indirect_dma semaphore(%arg10 : memref<!tpu.dma_semaphore, #tpu.memory_space<semaphore_mem>>) src(%dma_wait3A_127 : memref<100000x1024xf32, #tpu.memory_space<hbm>>) dst(%arg7 : memref<32x1024xf32, #tpu.memory_space<vmem>>)
      %mul3A_128 = arith.constant 32 : i32
      %mul3A_129 = arith.muli %add3A_114, %mul3A_128 : i32
      %add3A_130 = arith.addi %mul3A_2, %mul3A_129 : i32
      %dma_start3A_131 = arith.constant 0 : i32
      %dma_start3A_132 = tpu.memref_slice %arg4[%add3A_130, %dma_start3A_131] : memref<32768x1024xf32, #tpu.memory_space<hbm>> -> memref<32x1024xf32, #tpu.memory_space<hbm>>
      %dma_start3A_133 = arith.constant 0 : i32
      %dma_start3A_134 = tpu.memref_slice %arg4[%add3A_130, %dma_start3A_133] : memref<32768x1024xf32, #tpu.memory_space<hbm>> -> memref<32x1024xf32, #tpu.memory_space<hbm>>
      tpu.enqueue_dma source(%arg7 : memref<32x1024xf32, #tpu.memory_space<vmem>>) target(%dma_start3A_134 : memref<32x1024xf32, #tpu.memory_space<hbm>>) target_semaphore(%arg13 : memref<!tpu.dma_semaphore, #tpu.memory_space<semaphore_mem>>)
      %mul3A_135 = arith.constant 3 : i32
      %mul3A_136 = arith.muli %scan3A_88, %mul3A_135 : i32
      %add3A_137 = arith.constant 2 : i32
      %add3A_138 = arith.addi %mul3A_136, %add3A_137 : i32
      %add3A_139 = arith.constant 2 : i32
      %add3A_140 = arith.addi %add3A_138, %add3A_139 : i32
      %lt3A_141 = arith.constant 32 : i32
      %lt3A_142 = arith.cmpi slt, %add3A_140, %lt3A_141 : i32
      %convert_element_type3A_143 = arith.extui %lt3A_142 : i1 to i32
      %cond3A_144 = arith.constant 0 : i32
      %cond3A_145 = arith.cmpi ne, %convert_element_type3A_143, %cond3A_144 : i32
      scf.if %cond3A_145 {
        %add3A_159 = arith.constant 2 : i32
        %add3A_160 = arith.addi %add3A_138, %add3A_159 : i32
        %ge3A = arith.constant 3 : i32
        %ge3A_161 = arith.cmpi sge, %add3A_160, %ge3A : i32
        %convert_element_type3A_162 = arith.extui %ge3A_161 : i1 to i32
        %cond3A_163 = arith.constant 0 : i32
        %cond3A_164 = arith.cmpi ne, %convert_element_type3A_162, %cond3A_163 : i32
        scf.if %cond3A_164 {
          %add3A_173 = arith.constant 2 : i32
          %add3A_174 = arith.addi %add3A_138, %add3A_173 : i32
          %sub3A_175 = arith.constant 3 : i32
          %sub3A_176 = arith.subi %add3A_174, %sub3A_175 : i32
          %mul3A_177 = arith.constant 32 : i32
          %mul3A_178 = arith.muli %sub3A_176, %mul3A_177 : i32
          %add3A_179 = arith.addi %mul3A_2, %mul3A_178 : i32
          %dma_wait3A_180 = arith.constant 0 : i32
          %dma_wait3A_181 = tpu.memref_slice %arg4[%add3A_179, %dma_wait3A_180] : memref<32768x1024xf32, #tpu.memory_space<hbm>> -> memref<32x1024xf32, #tpu.memory_space<hbm>>
          %dma_wait3A_182 = arith.constant 0 : i32
          %dma_wait3A_183 = tpu.memref_slice %arg4[%add3A_179, %dma_wait3A_182] : memref<32768x1024xf32, #tpu.memory_space<hbm>> -> memref<32x1024xf32, #tpu.memory_space<hbm>>
          tpu.wait_dma2 semaphore(%arg13 : memref<!tpu.dma_semaphore, #tpu.memory_space<semaphore_mem>>) src(%arg7 : memref<32x1024xf32, #tpu.memory_space<vmem>>) dst(%dma_wait3A_183 : memref<32x1024xf32, #tpu.memory_space<hbm>>)
        } else {
        }
        %add3A_165 = arith.constant 2 : i32
        %add3A_166 = arith.addi %add3A_138, %add3A_165 : i32
        %mul3A_167 = arith.constant 32 : i32
        %mul3A_168 = arith.muli %add3A_166, %mul3A_167 : i32
        %dma_start3A_169 = tpu.memref_slice %arg5[%mul3A_168] : memref<1024xi32, #tpu.memory_space<vmem>> -> memref<32xi32, #tpu.memory_space<vmem>>
        %dma_start3A_170 = arith.constant 0 : i32
        %dma_start3A_171 = arith.constant 0 : i32
        %dma_start3A_172 = tpu.memref_slice %arg3[%dma_start3A_170, %dma_start3A_171] : memref<100000x1024xf32, #tpu.memory_space<hbm>> -> memref<100000x1024xf32, #tpu.memory_space<hbm>>
        tpu.enqueue_indirect_dma source(%dma_start3A_172 : memref<100000x1024xf32, #tpu.memory_space<hbm>>) target(%arg7 : memref<32x1024xf32, #tpu.memory_space<vmem>>) offsets(%dma_start3A_169 : memref<32xi32, #tpu.memory_space<vmem>>) semaphore(%arg10 : memref<!tpu.dma_semaphore, #tpu.memory_space<semaphore_mem>>)
      } else {
      }
      %mul3A_146 = arith.constant 32 : i32
      %mul3A_147 = arith.muli %add3A_138, %mul3A_146 : i32
      %dma_wait3A_148 = tpu.memref_slice %arg5[%mul3A_147] : memref<1024xi32, #tpu.memory_space<vmem>> -> memref<32xi32, #tpu.memory_space<vmem>>
      %dma_wait3A_149 = arith.constant 0 : i32
      %dma_wait3A_150 = arith.constant 0 : i32
      %dma_wait3A_151 = tpu.memref_slice %arg3[%dma_wait3A_149, %dma_wait3A_150] : memref<100000x1024xf32, #tpu.memory_space<hbm>> -> memref<100000x1024xf32, #tpu.memory_space<hbm>>
      tpu.wait_indirect_dma semaphore(%arg11 : memref<!tpu.dma_semaphore, #tpu.memory_space<semaphore_mem>>) src(%dma_wait3A_151 : memref<100000x1024xf32, #tpu.memory_space<hbm>>) dst(%arg8 : memref<32x1024xf32, #tpu.memory_space<vmem>>)
      %mul3A_152 = arith.constant 32 : i32
      %mul3A_153 = arith.muli %add3A_138, %mul3A_152 : i32
      %add3A_154 = arith.addi %mul3A_2, %mul3A_153 : i32
      %dma_start3A_155 = arith.constant 0 : i32
      %dma_start3A_156 = tpu.memref_slice %arg4[%add3A_154, %dma_start3A_155] : memref<32768x1024xf32, #tpu.memory_space<hbm>> -> memref<32x1024xf32, #tpu.memory_space<hbm>>
      %dma_start3A_157 = arith.constant 0 : i32
      %dma_start3A_158 = tpu.memref_slice %arg4[%add3A_154, %dma_start3A_157] : memref<32768x1024xf32, #tpu.memory_space<hbm>> -> memref<32x1024xf32, #tpu.memory_space<hbm>>
      tpu.enqueue_dma source(%arg8 : memref<32x1024xf32, #tpu.memory_space<vmem>>) target(%dma_start3A_158 : memref<32x1024xf32, #tpu.memory_space<hbm>>) target_semaphore(%arg14 : memref<!tpu.dma_semaphore, #tpu.memory_space<semaphore_mem>>)
    }
    %scan3A_48 = arith.constant 10 : i32
    %dma_wait3A = arith.constant 960 : i32
    %dma_wait3A_49 = tpu.memref_slice %arg5[%dma_wait3A] : memref<1024xi32, #tpu.memory_space<vmem>> -> memref<32xi32, #tpu.memory_space<vmem>>
    %dma_wait3A_50 = arith.constant 0 : i32
    %dma_wait3A_51 = arith.constant 0 : i32
    %dma_wait3A_52 = tpu.memref_slice %arg3[%dma_wait3A_50, %dma_wait3A_51] : memref<100000x1024xf32, #tpu.memory_space<hbm>> -> memref<100000x1024xf32, #tpu.memory_space<hbm>>
    tpu.wait_indirect_dma semaphore(%arg9 : memref<!tpu.dma_semaphore, #tpu.memory_space<semaphore_mem>>) src(%dma_wait3A_52 : memref<100000x1024xf32, #tpu.memory_space<hbm>>) dst(%arg6 : memref<32x1024xf32, #tpu.memory_space<vmem>>)
    %add3A_53 = arith.constant 960 : i32
    %add3A_54 = arith.addi %mul3A_2, %add3A_53 : i32
    %dma_start3A_55 = arith.constant 0 : i32
    %dma_start3A_56 = tpu.memref_slice %arg4[%add3A_54, %dma_start3A_55] : memref<32768x1024xf32, #tpu.memory_space<hbm>> -> memref<32x1024xf32, #tpu.memory_space<hbm>>
    %dma_start3A_57 = arith.constant 0 : i32
    %dma_start3A_58 = tpu.memref_slice %arg4[%add3A_54, %dma_start3A_57] : memref<32768x1024xf32, #tpu.memory_space<hbm>> -> memref<32x1024xf32, #tpu.memory_space<hbm>>
    tpu.enqueue_dma source(%arg6 : memref<32x1024xf32, #tpu.memory_space<vmem>>) target(%dma_start3A_58 : memref<32x1024xf32, #tpu.memory_space<hbm>>) target_semaphore(%arg12 : memref<!tpu.dma_semaphore, #tpu.memory_space<semaphore_mem>>)
    %dma_wait3A_59 = arith.constant 992 : i32
    %dma_wait3A_60 = tpu.memref_slice %arg5[%dma_wait3A_59] : memref<1024xi32, #tpu.memory_space<vmem>> -> memref<32xi32, #tpu.memory_space<vmem>>
    %dma_wait3A_61 = arith.constant 0 : i32
    %dma_wait3A_62 = arith.constant 0 : i32
    %dma_wait3A_63 = tpu.memref_slice %arg3[%dma_wait3A_61, %dma_wait3A_62] : memref<100000x1024xf32, #tpu.memory_space<hbm>> -> memref<100000x1024xf32, #tpu.memory_space<hbm>>
    tpu.wait_indirect_dma semaphore(%arg10 : memref<!tpu.dma_semaphore, #tpu.memory_space<semaphore_mem>>) src(%dma_wait3A_63 : memref<100000x1024xf32, #tpu.memory_space<hbm>>) dst(%arg7 : memref<32x1024xf32, #tpu.memory_space<vmem>>)
    %add3A_64 = arith.constant 992 : i32
    %add3A_65 = arith.addi %mul3A_2, %add3A_64 : i32
    %dma_start3A_66 = arith.constant 0 : i32
    %dma_start3A_67 = tpu.memref_slice %arg4[%add3A_65, %dma_start3A_66] : memref<32768x1024xf32, #tpu.memory_space<hbm>> -> memref<32x1024xf32, #tpu.memory_space<hbm>>
    %dma_start3A_68 = arith.constant 0 : i32
    %dma_start3A_69 = tpu.memref_slice %arg4[%add3A_65, %dma_start3A_68] : memref<32768x1024xf32, #tpu.memory_space<hbm>> -> memref<32x1024xf32, #tpu.memory_space<hbm>>
    tpu.enqueue_dma source(%arg7 : memref<32x1024xf32, #tpu.memory_space<vmem>>) target(%dma_start3A_69 : memref<32x1024xf32, #tpu.memory_space<hbm>>) target_semaphore(%arg13 : memref<!tpu.dma_semaphore, #tpu.memory_space<semaphore_mem>>)
    %add3A_70 = arith.constant 928 : i32
    %add3A_71 = arith.addi %mul3A_2, %add3A_70 : i32
    %dma_wait3A_72 = arith.constant 0 : i32
    %dma_wait3A_73 = tpu.memref_slice %arg4[%add3A_71, %dma_wait3A_72] : memref<32768x1024xf32, #tpu.memory_space<hbm>> -> memref<32x1024xf32, #tpu.memory_space<hbm>>
    %dma_wait3A_74 = arith.constant 0 : i32
    %dma_wait3A_75 = tpu.memref_slice %arg4[%add3A_71, %dma_wait3A_74] : memref<32768x1024xf32, #tpu.memory_space<hbm>> -> memref<32x1024xf32, #tpu.memory_space<hbm>>
    tpu.wait_dma2 semaphore(%arg14 : memref<!tpu.dma_semaphore, #tpu.memory_space<semaphore_mem>>) src(%arg8 : memref<32x1024xf32, #tpu.memory_space<vmem>>) dst(%dma_wait3A_75 : memref<32x1024xf32, #tpu.memory_space<hbm>>)
    %add3A_76 = arith.constant 960 : i32
    %add3A_77 = arith.addi %mul3A_2, %add3A_76 : i32
    %dma_wait3A_78 = arith.constant 0 : i32
    %dma_wait3A_79 = tpu.memref_slice %arg4[%add3A_77, %dma_wait3A_78] : memref<32768x1024xf32, #tpu.memory_space<hbm>> -> memref<32x1024xf32, #tpu.memory_space<hbm>>
    %dma_wait3A_80 = arith.constant 0 : i32
    %dma_wait3A_81 = tpu.memref_slice %arg4[%add3A_77, %dma_wait3A_80] : memref<32768x1024xf32, #tpu.memory_space<hbm>> -> memref<32x1024xf32, #tpu.memory_space<hbm>>
    tpu.wait_dma2 semaphore(%arg12 : memref<!tpu.dma_semaphore, #tpu.memory_space<semaphore_mem>>) src(%arg6 : memref<32x1024xf32, #tpu.memory_space<vmem>>) dst(%dma_wait3A_81 : memref<32x1024xf32, #tpu.memory_space<hbm>>)
    %add3A_82 = arith.constant 992 : i32
    %add3A_83 = arith.addi %mul3A_2, %add3A_82 : i32
    %dma_wait3A_84 = arith.constant 0 : i32
    %dma_wait3A_85 = tpu.memref_slice %arg4[%add3A_83, %dma_wait3A_84] : memref<32768x1024xf32, #tpu.memory_space<hbm>> -> memref<32x1024xf32, #tpu.memory_space<hbm>>
    %dma_wait3A_86 = arith.constant 0 : i32
    %dma_wait3A_87 = tpu.memref_slice %arg4[%add3A_83, %dma_wait3A_86] : memref<32768x1024xf32, #tpu.memory_space<hbm>> -> memref<32x1024xf32, #tpu.memory_space<hbm>>
    tpu.wait_dma2 semaphore(%arg13 : memref<!tpu.dma_semaphore, #tpu.memory_space<semaphore_mem>>) src(%arg7 : memref<32x1024xf32, #tpu.memory_space<vmem>>) dst(%dma_wait3A_87 : memref<32x1024xf32, #tpu.memory_space<hbm>>)
    return
  }
}

module attributes {stable_mosaic.version = 14 : i64} {
  func.func @body(%arg0: i32, %arg1: memref<1024x1024xf32, #tpu.memory_space<vmem>>, %arg2: memref<1024x1024xf32, #tpu.memory_space<vmem>>) attributes {dimension_semantics = [#tpu.dimension_semantics<arbitrary>], iteration_bounds = array<i64: 8>, scalar_prefetch = 0 : i64, scratch_operands = 0 : i64, tpu.core_type = #tpu.core_type<tc>, window_params = [{transform_indices = @transform_0, window_bounds = array<i64: 1024, 1024>}, {transform_indices = @transform_1, window_bounds = array<i64: 1024, 1024>}]} {
    %get3A = arith.constant 0 : index
    %get3A_0 = arith.constant 0 : index
    %get3A_1 = vector.load %arg1[%get3A, %get3A_0] : memref<1024x1024xf32, #tpu.memory_space<vmem>>, vector<1024x1024xf32>
    %swap3A = arith.constant 0 : index
    %swap3A_2 = arith.constant 0 : index
    %swap3A_3 = vector.load %arg2[%swap3A, %swap3A_2] : memref<1024x1024xf32, #tpu.memory_space<vmem>>, vector<1024x1024xf32>
    tpu.vector_store %arg2[%swap3A, %swap3A_2], %get3A_1 {strides = array<i32>} : memref<1024x1024xf32, #tpu.memory_space<vmem>>, vector<1024x1024xf32>,
    return
  }
  func.func @transform_0(%arg0: i32) -> (i32, i32) {
    %c0_i32 = arith.constant 0 : i32
    %c0_i32_0 = arith.constant 0 : i32
    return %arg0, %c0_i32 : i32, i32
  }
  func.func @transform_1(%arg0: i32) -> (i32, i32) {
    %c0_i32 = arith.constant 0 : i32
    %c0_i32_0 = arith.constant 0 : i32
    return %arg0, %c0_i32 : i32, i32
  }
}

</mosaic_0001>

<sc_bundles>
// kernel: kernel.4.cloned.1.call-start
scs
__scs_entry_jumppad:
0x0: {  	(pc) =	sbr.rel $0x88, $3  }
0x1: {  	(tag) =	ssettag $0x0;
	lr =	simm.s32 $0x1  }
0x2: {  	[smem:$0x3F9E] =	sst lr;
	_ =	strace $0xD0000000  }
0x3: {  	_ = 	snop  }
0x4: {  	_ = 	snop  }
0x5: {  	_ = 	snop  }
0x6: {  	_ = 	snop  }
0x7: {  	_ = 	snop  }
__scs_overlays_trampoline_lowered:
0x8: {  	[smem:$0x3FAD] =	sst s0  }
0x9: {  	[smem:$0x3FAE] =	sst s1  }
0xa: {  	[smem:$0x3FAF] =	sst s2  }
0xb: {  	[smem:$0x3FB0] =	sst s3  }
0xc: {  	[smem:$0x3FB1] =	sst s4  }
0xd: {  	[smem:$0x3FB2] =	sst s5  }
0xe: {  	[smem:$0x3FB3] =	sst s6  }
0xf: {  	[smem:$0x3FB4] =	sst s7  }
0x10: {  	[smem:$0x3FB5] =	sst s8  }
0x11: {  	[smem:$0x3FB6] =	sst s9;
	s0 =	simm.s32 @!p0 $0x0  }
0x12: {  	s1 =	sld [smem:$0x3F9C];
	s0 =	simm.s32 @p0 $0x1  }
0x13: {  	[smem:$0x3FB7] =	sst s0;
	s0 =	simm.s32 @!p1 $0x0  }
0x14: {  	s2 =	sld [smem:$0x3F9B];
	s0 =	simm.s32 @p1 $0x1  }
0x15: {  	[smem:$0x3FB8] =	sst s0;
	s0 =	simm.s32 @!p2 $0x0  }
0x16: {  	s3 =	sld [smem:$0x3FDB];
	s0 =	simm.s32 @p2 $0x1  }
0x17: {  	s4 =	simm.s32 $0x1BF5;
	[smem:$0x3FBA] =	sst s0  }
0x18: {  	s0 =	sld [smem:$0x3F9D];
	_ =	swait.ge [sflag:s4], $0x0  }
0x19: {  	s7 =	sld [smem:$0x3F9E]  }
0x1a: {  	s8 =	sadd.s32 $0xFFFFE003, lr  }
0x1b: {  	s9 =	sadd.s32 $0xFFFFFEF7, lr;
	s5 =	simm.s32 $0xFFFFFFFF;
	p2 =	slt.u32 s8, $0xFFFFF086  }
0x1c: {  	p1 =	slt.u32 s9, $0xF7A;
	s5 =	simm.s32 @!p2 $0x0  }
0x1d: {  	s5 =	simm.s32 @p1 $0x1;
	p0 =	seq.s32 s7, s2  }
0x1e: {  	s7 =	smul.u32 @!p0 $0xF7A, s2;
	p2 =	seq.s32 @!p0 s5, $0x0  }
0x1f: {  	s9 =	smul.u32 $0xF7A, s1;
	s8 =	simm.s32 @!p0 $0x1BF5;
	p2 =	por !p2, p0  }
0x20: {  	[sflag:s8] =	ssyncset.s32 @!p0 $0xFFFFF086;
	s6 =	sadd.s32 @!p0 s3, s7;
	s7 =	simm.s32 @!p0 $0x108  }
0x21: {  	s3 =	sadd.s32 s3, s9;
	s6 =	sadd.s32 @!p0 $0x88, s6;
	s7 =	simm.s32 @p2 $0x1082  }
0x22: {  	[simem:s7], [sflag:s8] =	dma.local @!p0 [hbm:s6], $0xF7A  }
0x23: {  	s9 =	sor.u32 $0xD0000000, s2;
	s6 =	simm.s32 $0x108;
	_ =	swait.ge @!p0 [sflag:s8], $0x0  }
0x24: {  	s3 =	sadd.s32 $0x88, s3;
	s6 =	simm.s32 @!p1 $0x1082;
	[sflag:s4] =	ssyncset.s32 $0xFFFFF086  }
0x25: {  	[simem:s6], [sflag:s4] =	dma.local [hbm:s3], $0xF7A  }
0x26: {  	[smem:$0x3F9E] =	sst s1;
	(tag) =	ssettag s2;
	_ =	strace s9  }
0x27: {  	s1 =	sld [smem:$0x3FAE]  }
0x28: {  	s2 =	sld [smem:$0x3FAF]  }
0x29: {  	s4 =	sld [smem:$0x3FB1]  }
0x2a: {  	p0 =	seq.s32 s5, $0x0;
	s5 =	sld [smem:$0x3FB2]  }
0x2b: {  	s6 =	sld [smem:$0x3FB3]  }
0x2c: {  	s7 =	sld [smem:$0x3FB4]  }
0x2d: {  	s3 =	simm.s32 $0x108;
	s8 =	sld [smem:$0x3FB5]  }
0x2e: {  	s3 =	simm.s32 @!p0 $0x1082;
	s9 =	sld [smem:$0x3FB6]  }
0x2f: {  	lr =	sadd.s32 s0, s3;
	s0 =	sld [smem:$0x3FAD]  }
0x30: {  	s3 =	sld [smem:$0x3FB0]  }
0x31: {  	[smem:$0x3FB9] =	sst s10  }
0x32: {  	s10 =	sld [smem:$0x3FB7];
	_ =	sdelay $0x3  }
0x33: {  	p0 =	seq.s32 s10, $0x1;
	s10 =	sld [smem:$0x3FB9];
	_ =	sdelay $0x3  }
0x34: {  	[smem:$0x3FB9] =	sst s10  }
0x35: {  	s10 =	sld [smem:$0x3FB8];
	_ =	sdelay $0x3  }
0x36: {  	p1 =	seq.s32 s10, $0x1;
	s10 =	sld [smem:$0x3FB9];
	_ =	sdelay $0x3  }
0x37: {  	[smem:$0x3FB9] =	sst s10  }
0x38: {  	s10 =	sld [smem:$0x3FBA]  }
0x39: {  	_ = 	snop;
	(pc) =	sbr.ind lr, $3  }
0x3a: {  	_ = 	snop  }
0x3b: {  	_ = 	snop  }
0x3c: {  	p2 =	seq.s32 s10, $0x1;
	s10 =	sld [smem:$0x3FB9]  }
0x3d: {  	_ =	shalt  }
0x3e: {  	_ =	shalt  }
0x3f: {  	_ =	shalt  }
0x40: {  	_ =	shalt  }
0x41: {  	_ =	shalt  }
0x42: {  	_ =	shalt  }
0x43: {  	_ =	shalt  }
0x44: {  	_ =	shalt  }
0x45: {  	_ =	shalt  }
0x46: {  	_ =	shalt  }
0x47: {  	_ =	shalt  }
0x48: {  	_ =	shalt  }
0x49: {  	_ =	shalt  }
0x4a: {  	_ =	shalt  }
0x4b: {  	_ =	shalt  }
0x4c: {  	_ =	shalt  }
0x4d: {  	_ =	shalt  }
0x4e: {  	_ =	shalt  }
0x4f: {  	_ =	shalt  }
0x50: {  	_ =	shalt  }
0x51: {  	_ =	shalt  }
0x52: {  	_ =	shalt  }
0x53: {  	_ =	shalt  }
0x54: {  	_ =	shalt  }
0x55: {  	_ =	shalt  }
0x56: {  	_ =	shalt  }
0x57: {  	_ =	shalt  }
0x58: {  	_ =	shalt  }
0x59: {  	_ =	shalt  }
0x5a: {  	_ =	shalt  }
0x5b: {  	_ =	shalt  }
0x5c: {  	_ =	shalt  }
0x5d: {  	_ =	shalt  }
0x5e: {  	_ =	shalt  }
0x5f: {  	_ =	shalt  }
0x60: {  	_ =	shalt  }
0x61: {  	_ =	shalt  }
0x62: {  	_ =	shalt  }
0x63: {  	_ =	shalt  }
0x64: {  	_ =	shalt  }
0x65: {  	_ =	shalt  }
0x66: {  	_ =	shalt  }
0x67: {  	_ =	shalt  }
0x68: {  	_ =	shalt  }
0x69: {  	_ =	shalt  }
0x6a: {  	_ =	shalt  }
0x6b: {  	_ =	shalt  }
0x6c: {  	_ =	shalt  }
0x6d: {  	_ =	shalt  }
0x6e: {  	_ =	shalt  }
0x6f: {  	_ =	shalt  }
0x70: {  	_ =	shalt  }
0x71: {  	_ =	shalt  }
0x72: {  	_ =	shalt  }
0x73: {  	_ =	shalt  }
0x74: {  	_ =	shalt  }
0x75: {  	_ =	shalt  }
0x76: {  	_ =	shalt  }
0x77: {  	_ =	shalt  }
0x78: {  	_ =	shalt  }
0x79: {  	_ =	shalt  }
0x7a: {  	_ =	shalt  }
0x7b: {  	_ =	shalt  }
0x7c: {  	_ =	shalt  }
0x7d: {  	_ =	shalt  }
0x7e: {  	_ =	shalt  }
0x7f: {  	_ =	shalt  }
0x80: {  	_ =	shalt  }
0x81: {  	_ =	shalt  }
0x82: {  	_ =	shalt  }
0x83: {  	_ =	shalt  }
0x84: {  	_ =	shalt  }
0x85: {  	_ =	shalt  }
0x86: {  	_ =	shalt  }
0x87: {  	_ =	shalt  }
.Lfunc_end0:
.L_simem_size_0:
called_computation_lowered:
.L_overlay_start_0:
0x88: {  	s2 =	sld [smem:$0x3FD9]  }
0x89: {  	s3 =	sld [smem:$0x3FFE];
	_ =	sdelay $0x1  }
0x8a: {  	s1 =	srdreg.scid  }
0x8b: {  	s0 =	sand.u32 $0x1, s1  }
0x8c: {  	s15 =	sshll.u32 s0, $0xA;
	s2 =	sadd.s32 s3, s2  }
0x8d: {  	s2 =	sadd.s32 s2, s15  }
0x8e: {  	[smem:$0x3FC5] =	sst s2  }
0x8f: {  	_ = 	snop  }
0x90: {  	s2 =	sld [smem:$0x3FD0];
	_ =	sdelay $0x1  }
0x91: {  	s16 =	sld [smem:$0x3FC9]  }
0x92: {  	s5 =	simm.s32 $0xA;
	s6 =	simm.s32 $0x10;
	s4 =	sld [smem:$0x3FC8]  }
0x93: {  	[smem:s6], [sflag:s5] =	dma.local [hbm:s2], $0x1  }
0x94: {  	_ =	swait.eq [sflag:s5], $0x1  }
0x95: {  	[sflag:s5] =	ssyncset.done $0x0  }
0x96: {  	[sflag:s5] =	ssyncadd.s32 $0xFFFFFFFF  }
0x97: {  	s17 =	sld [smem:$0x10];
	(tm) =	ssettm $0x1  }
0x98: {  	s18 =	sld [smem:$0x3FFB];
	_ =	sdelay $0x3  }
0x99: {  	_ =	strace s18  }
0x9a: {  	s5 =	sld [smem:$0x3FFC];
	_ =	sdelay $0x3  }
0x9b: {  	_ =	strace s5  }
0x9c: {  	s5 =	sld [smem:$0x3FFD];
	_ =	sdelay $0x3  }
0x9d: {  	_ =	strace s5  }
0x9e: {  	_ =	strace $0x8FFFFFFF  }
0x9f: {  	s19 =	sld [smem:$0x3FDB];
	_ =	sdelay $0x1  }
0xa0: {  	s20 =	simm.s32 $_scs_section_size  }
0xa1: {  	s7 =	simm.s32 $_size__tile_overlayer_lowered;
	s8 =	simm.s32 $_tile_overlayer_lowered  }
0xa2: {  	s23 =	simm.s32 $0x1BFF;
	s22 =	sshll.u32 s8, $0x1;
	s5 =	sadd.s32 s20, s19  }
0xa3: {  	s9 =	simm.s32 $0x0;
	s21 =	sshll.u32 s7, $0x1;
	s7 =	sadd.s32 s22, s5  }
0xa4: {  	[timem:s9], [sflag:s23] =	dma.local [hbm:s7], s21  }
0xa5: {  	_ =	swait.ge [sflag:s23], s21  }
0xa6: {  	s6 =	ssub.s32 $0x0, s21;
	[sflag:s23] =	ssyncset.done $0x0  }
0xa7: {  	[sflag:s23] =	ssyncadd.s32 s6;
	_ =	sdelay $0x1  }
0xa8: {  	s24 =	simm.s32 $0x1B8B  }
0xa9: {  	_ =	swait.ge [sflag:s24], $0x1  }
0xaa: {  	[sflag:s24] =	ssyncset.done $0x0  }
0xab: {  	s25 =	simm.s32 $0x1B8E;
	[sflag:s24] =	ssyncadd.s32 $0xFFFFFFFF  }
0xac: {  	s26 =	simm.s32 $execute0_lowered;
	[smem:$0x3FD2] =	sst s25  }
0xad: {  	s6 =	sshll.u32 s26, $0x1;
	_ =	strace $0x80000046;
	[dreg:$0x1] =	wrdreg $0xFFFFFFFF  }
0xae: {  	s28 =	simm.s32 $_size_execute0_lowered;
	s5 =	sadd.s32 s5, s6;
	[dreg:$0x0] =	wrdreg $0x0  }
0xaf: {  	s6 =	sshll.u32 s28, $0x1;
	[dreg:$0x2] =	wrdreg s5  }
0xb0: {  	[dreg:$0x3] =	wrdreg s6  }
0xb1: {  	[dreg:$0x4] =	wrdreg $0xC0  }
0xb2: {  	_ =	task [dreg:s9], $0x5FFFF  }
0xb3: {  	[dreg:$0x1] =	wrdreg $0xFFFFFFFF  }
0xb4: {  	[dreg:$0x0] =	wrdreg $0x60  }
0xb5: {  	[dreg:$0x2] =	wrdreg s16  }
0xb6: {  	[dreg:$0x3] =	wrdreg s4  }
0xb7: {  	[dreg:$0x4] =	wrdreg s17  }
0xb8: {  	[dreg:$0x5] =	wrdreg $0x9  }
0xb9: {  	_ =	task.clear_ibuf [dreg:s9], $0x6FFFF;
	_ =	strace $0x90000046  }
0xba: {  	s29 =	simm.s32 $0x9;
	_ =	strace $0x80000048  }
0xbb: {  	_ =	swait.ge [sflag:s29], $0x1  }
0xbc: {  	[sflag:s29] =	ssyncadd.s32 $0xFFFFFFFF  }
0xbd: {  	_ =	strace $0x90000048  }
0xbe: {  	_ =	sfence  }
0xbf: {  	s30 =	sld [smem:$0x0];
	_ =	sdelay $0x2  }
0xc0: {  	s31 =	sshll.u32 s1, $0xD;
	s1 =	sshrl.u32 s1, $0x2  }
0xc1: {  	s3 =	sand.u32 $0x4000, s31;
	s1 =	sadd.s32 s1, s30  }
0xc2: {  	s0 =	sor.u32 s3, s0;
	s1 =	sshll.u32 s1, $0x11  }
0xc3: {  	s0 =	sor.u32 s1, s0  }
0xc4: {  	s0 =	sadd.s32 $0x8F2B, s0  }
0xc5: {  	[sflag:s0] =	ssyncadd.remote.s32 $0x1  }
0xc6: {  	_ =	sfence.sel $0xFFFF  }
0xc7: {  	[dreg:$0x0] =	wrdreg $0xFFFFFFFF;
	(pc) =	sbr.abs _section_cstart, $3  }
0xc8: {  	[dreg:$0x1] =	wrdreg $0xFFFFFFFF  }
0xc9: {  	_ =	task.clear_ibuf [dreg:s9], $0x2FFFF;
	_ =	strace $0x9FFFFFFF  }
0xca: {  	(tm) =	ssettm $0x7FFFFFFF  }
0xcb: {  	_ =	shalt  }
tec
execute0_lowered:
.L_overlay_start_1:
0x0: {  	(tag) =	ssettag $0x1  }
0x1: {  	s0 =	rddreg [dreg:$0x0]  }
0x2: {  	s1 =	rddreg [dreg:$0x1]  }
0x3: {  	s2 =	rddreg [dreg:$0x2];
	s3 =	simm.s32 $0x0  }
0x4: {  	s4 =	srdreg.scid;
	s11 =	stileid.u32;
	s13 =	simm.s32 $0x10C00  }
0x5: {  	s14 =	simm.s32 $0x11400;
	s15 =	simm.s32 $0x11C00;
	[smem:$0x7FF] =	sst s3  }
0x6: {  	s16 =	simm.s32 $0x12400;
	_ =	strace $0x80000047;
	[dreg:$0x5] =	wrdreg s13  }
0x7: {  	s17 =	simm.s32 $0x12C00;
	s18 =	simm.s32 $0x13400;
	[dreg:$0x6] =	wrdreg s14  }
0x8: {  	s19 =	simm.s32 $0x13C00;
	s20 =	simm.s32 $0x14400;
	[dreg:$0x7] =	wrdreg s15  }
0x9: {  	s21 =	simm.s32 $0x14C00;
	s22 =	simm.s32 $0x15400;
	[dreg:$0x8] =	wrdreg s16  }
0xa: {  	s23 =	simm.s32 $0x15C00;
	s30 =	simm.s32 $0x7C00;
	[dreg:$0x9] =	wrdreg s17  }
0xb: {  	s31 =	simm.s32 $0x8400;
	s28 =	simm.s32 $0x0;
	[dreg:$0xa] =	wrdreg s18  }
0xc: {  	s4 =	sand.u32 $0x1, s4;
	s5 =	sshll.u32 s11, $0x1;
	[dreg:$0xb] =	wrdreg s19  }
0xd: {  	s24 =	sshll.u32 s11, $0x2;
	s29 =	sshll.u32 s11, $0x12;
	[dreg:$0xc] =	wrdreg s20  }
0xe: {  	s6 =	ssub.s32 $0x2, s4;
	s8 =	sor.u32 s4, s5;
	[dreg:$0xd] =	wrdreg s21  }
0xf: {  	s5 =	sand.u32 $0x30, s24;
	s4 =	sshll.u32 s4, $0x11;
	[dreg:$0xe] =	wrdreg s22  }
0x10: {  	s14 =	simm.s32 $0x400;
	[dreg:$0xf] =	wrdreg s23;
	s24 =	simm.s32 $0x16400  }
0x11: {  	s13 =	simm.s32 $0x4400;
	s15 =	simm.s32 $0x4C00;
	s16 =	simm.s32 $0x5400  }
0x12: {  	s17 =	simm.s32 $0x5C00;
	s18 =	simm.s32 $0x6400;
	s19 =	simm.s32 $0x6C00  }
0x13: {  	s20 =	simm.s32 $0x7400;
	s21 =	simm.s32 $0x10400;
	s22 =	simm.s32 $0x1  }
0x14: {  	s23 =	simm.s32 $0x4;
	s7 =	sshrl.u32 s6, $0x1;
	s9 =	sshll.u32 s8, $0x9  }
0x15: {  	s0 =	sadd.s32 s0, s5;
	s5 =	sadd.s32 $0x100, s1;
	s26 =	sshll.u32 s8, $0x11  }
0x16: {  	s8 =	simm.s32 $0x2C00;
	[dreg:$0x10] =	wrdreg s24;
	s24 =	simm.s32 $0x2  }
0x17: {  	s10 =	ssub.s32 s6, s7;
	s25 =	sand.u32 $0xE00, s9;
	s6 =	sadd.s32 $0x200, s1  }
0x18: {  	s7 =	sadd.s32 $0x300, s1;
	s0 =	sadd.s32 s25, s0;
	s12 =	smax.u32 s10, $0x1  }
0x19: {  	s10 =	simm.s32 $0x3C00;
	s25 =	simm.s32 $0x16C00;
	[dreg:$0x14] =	wrdreg s0  }
0x1a: {  	s0 =	sadd.s32 s26, s2;
	s2 =	sadd.s32 s29, s2;
	[dreg:$0x17] =	wrdreg s12  }
0x1b: {  	s12 =	simm.s32 $0x1C00;
	[dreg:$0x11] =	wrdreg s25;
	s26 =	simm.s32 $0x17400  }
0x1c: {  	s29 =	simm.s32 $0x17C00;
	s25 =	simm.s32 $0x5;
	[dreg:$0x12] =	wrdreg s26  }
0x1d: {  	s9 =	sadd.s32 $0x1E000, s0;
	s0 =	sadd.s32 $0x1F000, s0;
	[dreg:$0x13] =	wrdreg s29  }
0x1e: {  	v2 =	vlaneseq.u32;
	s11 =	sadd.s32 s4, s2;
	s2 =	simm.s32 $0xC00;
	[dreg:$0x15] =	wrdreg s9  }
0x1f: {  	vm0 =	vmmov $0xffff;
	v1 =	vshrl.u32 v2, $0x3;
	s4 =	simm.s32 $0x2400;
	s26 =	simm.s32 $0x3;
	[dreg:$0x16] =	wrdreg s0  }
0x20: {  	v0 =	vand.u32 $0x7, v2;
	v2 =	vor.u32 $0x8, v2;
	v1 =	vmul.u32 $0x8, v1;
	[dreg:$0x4] =	wrdreg s11;
	s11 =	simm.s32 $0x1400;
	s9 =	simm.s32 $0x3400  }
.LBB2_1:
0x21: {  	[dreg:$0x18] =	wrdreg s28  }
0x22: {  	s0 =	rddreg [dreg:$0x14];
	s28 =	simm.s32 $0x80;
	s29 =	simm.s32 $0x200  }
0x23: {  	[tilespmem:s3], [sflag:$0x7] =	stream.strided.gather [hbm4b:s0+s28], $0x400, s29, s28, $0x38;
	[tilespmem:$0x18400] =	vst v63  }
0x24: {  	s0 =	simm.s32 $0x7  }
0x25: {  	_ =	swait.ge [sflag:s0], $0x400  }
0x26: {  	[sflag:s0] =	ssyncset.done $0x0  }
0x27: {  	[sflag:s0] =	ssyncadd.s32 $0xFFFFFC00  }
0x28: {  	v3 =	vld [tilespmem:$0x0];
	_ =	sdelay $0x4  }
0x29: {  	v4 =	vshll.u32 v3, $0x3  }
0x2a: {  	v3 =	vand.u32 $0x7, v3;
	v4 =	vand.u32 $0xFFFFFFC0, v4  }
0x2b: {  	v3 =	vor.u32 v3, v4  }
0x2c: {  	v4 =	vperm.xlane v3, v0;
	_ =	sdelay $0x1  }
0x2d: {  	v4 =	vadd.s32 v1, v4;
	_ =	sdelay $0x4  }
0x2e: {  	[tilespmem:s14], [sflag:$0x1] =	stream.indirect_vreg.gather [hbm4b:s1+s3], $0x80, v4, vm0, $0xb8;
	[tilespmem:$0x18400] =	vst v63  }
0x2f: {  	v3 =	vperm.xlane v3, v2  }
0x30: {  	[tilespmem:s2], [sflag:$0x1] =	stream.indirect_vreg.gather [hbm4b:s5+s3], $0x80, v4, vm0, $0xb8;
	[tilespmem:$0x18400] =	vst v63  }
0x31: {  	v3 =	vadd.s32 v1, v3  }
0x32: {  	[tilespmem:s11], [sflag:$0x1] =	stream.indirect_vreg.gather [hbm4b:s6+s3], $0x80, v4, vm0, $0xb8;
	[tilespmem:$0x18400] =	vst v63  }
0x33: {  	_ = 	snop  }
0x34: {  	[tilespmem:s12], [sflag:$0x1] =	stream.indirect_vreg.gather [hbm4b:s7+s3], $0x80, v4, vm0, $0xb8;
	[tilespmem:$0x18400] =	vst v63  }
0x35: {  	_ = 	snop  }
0x36: {  	[tilespmem:s4], [sflag:$0x1] =	stream.indirect_vreg.gather [hbm4b:s1+s3], $0x80, v3, vm0, $0xb8;
	[tilespmem:$0x18400] =	vst v63  }
0x37: {  	_ = 	snop  }
0x38: {  	[tilespmem:s8], [sflag:$0x1] =	stream.indirect_vreg.gather [hbm4b:s5+s3], $0x80, v3, vm0, $0xb8;
	[tilespmem:$0x18400] =	vst v63  }
0x39: {  	_ = 	snop  }
0x3a: {  	[tilespmem:s9], [sflag:$0x1] =	stream.indirect_vreg.gather [hbm4b:s6+s3], $0x80, v3, vm0, $0xb8;
	[tilespmem:$0x18400] =	vst v63  }
0x3b: {  	_ = 	snop  }
0x3c: {  	[tilespmem:s10], [sflag:$0x1] =	stream.indirect_vreg.gather [hbm4b:s7+s3], $0x80, v3, vm0, $0xb8;
	[tilespmem:$0x18400] =	vst v63  }
0x3d: {  	v3 =	vld [tilespmem:$0x10];
	_ =	sdelay $0x4  }
0x3e: {  	v61 =	vshll.u32 v3, $0x3  }
0x3f: {  	v3 =	vand.u32 $0x7, v3;
	v4 =	vand.u32 $0xFFFFFFC0, v61  }
0x40: {  	v3 =	vor.u32 v3, v4  }
0x41: {  	v4 =	vperm.xlane v3, v0;
	_ =	sdelay $0x1  }
0x42: {  	v4 =	vadd.s32 v1, v4;
	_ =	sdelay $0x4  }
0x43: {  	[tilespmem:s13], [sflag:$0x1] =	stream.indirect_vreg.gather [hbm4b:s1+s3], $0x80, v4, vm0, $0xb8;
	[tilespmem:$0x18400] =	vst v63  }
0x44: {  	v3 =	vperm.xlane v3, v2  }
0x45: {  	[tilespmem:s15], [sflag:$0x1] =	stream.indirect_vreg.gather [hbm4b:s5+s3], $0x80, v4, vm0, $0xb8;
	[tilespmem:$0x18400] =	vst v63  }
0x46: {  	v3 =	vadd.s32 v1, v3  }
0x47: {  	[tilespmem:s16], [sflag:$0x1] =	stream.indirect_vreg.gather [hbm4b:s6+s3], $0x80, v4, vm0, $0xb8;
	[tilespmem:$0x18400] =	vst v63  }
0x48: {  	_ = 	snop  }
0x49: {  	[tilespmem:s17], [sflag:$0x1] =	stream.indirect_vreg.gather [hbm4b:s7+s3], $0x80, v4, vm0, $0xb8;
	[tilespmem:$0x18400] =	vst v63  }
0x4a: {  	_ = 	snop  }
0x4b: {  	[tilespmem:s18], [sflag:$0x1] =	stream.indirect_vreg.gather [hbm4b:s1+s3], $0x80, v3, vm0, $0xb8;
	[tilespmem:$0x18400] =	vst v63  }
0x4c: {  	_ = 	snop  }
0x4d: {  	[tilespmem:s19], [sflag:$0x1] =	stream.indirect_vreg.gather [hbm4b:s5+s3], $0x80, v3, vm0, $0xb8;
	[tilespmem:$0x18400] =	vst v63  }
0x4e: {  	_ = 	snop  }
0x4f: {  	[tilespmem:s20], [sflag:$0x1] =	stream.indirect_vreg.gather [hbm4b:s6+s3], $0x80, v3, vm0, $0xb8;
	[tilespmem:$0x18400] =	vst v63  }
0x50: {  	_ = 	snop  }
0x51: {  	[tilespmem:s30], [sflag:$0x1] =	stream.indirect_vreg.gather [hbm4b:s7+s3], $0x80, v3, vm0, $0xb8;
	[tilespmem:$0x18400] =	vst v63  }
0x52: {  	v3 =	vld [tilespmem:$0x20];
	_ =	sdelay $0x4  }
0x53: {  	v62 =	vshll.u32 v3, $0x3  }
0x54: {  	v3 =	vand.u32 $0x7, v3;
	v4 =	vand.u32 $0xFFFFFFC0, v62  }
0x55: {  	v3 =	vor.u32 v3, v4  }
0x56: {  	v4 =	vperm.xlane v3, v0;
	_ =	sdelay $0x1  }
0x57: {  	v4 =	vadd.s32 v1, v4;
	_ =	sdelay $0x4  }
0x58: {  	[tilespmem:s31], [sflag:$0x2] =	stream.indirect_vreg.gather [hbm4b:s1+s3], $0x80, v4, vm0, $0xb8;
	[tilespmem:$0x18400] =	vst v63  }
0x59: {  	s8 =	simm.s32 $0x8C00;
	v3 =	vperm.xlane v3, v2  }
0x5a: {  	[tilespmem:s8], [sflag:$0x2] =	stream.indirect_vreg.gather [hbm4b:s5+s3], $0x80, v4, vm0, $0xb8;
	[tilespmem:$0x18400] =	vst v63  }
0x5b: {  	s9 =	simm.s32 $0x9400;
	v3 =	vadd.s32 v1, v3  }
0x5c: {  	[tilespmem:s9], [sflag:$0x2] =	stream.indirect_vreg.gather [hbm4b:s6+s3], $0x80, v4, vm0, $0xb8;
	[tilespmem:$0x18400] =	vst v63  }
0x5d: {  	s10 =	simm.s32 $0x9C00  }
0x5e: {  	[tilespmem:s10], [sflag:$0x2] =	stream.indirect_vreg.gather [hbm4b:s7+s3], $0x80, v4, vm0, $0xb8;
	[tilespmem:$0x18400] =	vst v63  }
0x5f: {  	s11 =	simm.s32 $0xA400  }
0x60: {  	[tilespmem:s11], [sflag:$0x2] =	stream.indirect_vreg.gather [hbm4b:s1+s3], $0x80, v3, vm0, $0xb8;
	[tilespmem:$0x18400] =	vst v63  }
0x61: {  	s12 =	simm.s32 $0xAC00  }
0x62: {  	[tilespmem:s12], [sflag:$0x2] =	stream.indirect_vreg.gather [hbm4b:s5+s3], $0x80, v3, vm0, $0xb8;
	[tilespmem:$0x18400] =	vst v63  }
0x63: {  	s13 =	simm.s32 $0xB400  }
0x64: {  	[tilespmem:s13], [sflag:$0x2] =	stream.indirect_vreg.gather [hbm4b:s6+s3], $0x80, v3, vm0, $0xb8;
	[tilespmem:$0x18400] =	vst v63  }
0x65: {  	s15 =	simm.s32 $0xBC00  }
0x66: {  	[tilespmem:s15], [sflag:$0x2] =	stream.indirect_vreg.gather [hbm4b:s7+s3], $0x80, v3, vm0, $0xb8;
	[tilespmem:$0x18400] =	vst v63  }
0x67: {  	v3 =	vld [tilespmem:$0x30];
	_ =	sdelay $0x4  }
0x68: {  	v63 =	vshll.u32 v3, $0x3  }
0x69: {  	v3 =	vand.u32 $0x7, v3;
	v4 =	vand.u32 $0xFFFFFFC0, v63  }
0x6a: {  	v3 =	vor.u32 v3, v4  }
0x6b: {  	v4 =	vperm.xlane v3, v0;
	_ =	sdelay $0x1  }
0x6c: {  	v4 =	vadd.s32 v1, v4;
	_ =	sdelay $0x3  }
0x6d: {  	s16 =	simm.s32 $0xC400  }
0x6e: {  	[tilespmem:s16], [sflag:$0x2] =	stream.indirect_vreg.gather [hbm4b:s1+s3], $0x80, v4, vm0, $0xb8;
	[tilespmem:$0x18400] =	vst v63  }
0x6f: {  	s28 =	simm.s32 $0x90;
	s29 =	simm.s32 $0x0;
	s17 =	simm.s32 $0xCC00;
	v3 =	vperm.xlane v3, v2  }
0x70: {  	[tilespmem:s17], [sflag:$0x2] =	stream.indirect_vreg.gather [hbm4b:s5+s3], $0x80, v4, vm0, $0xb8;
	[tilespmem:$0x18400] =	vst v63  }
0x71: {  	s2 =	simm.s32 $0x7C00;
	s4 =	simm.s32 $0x2400;
	s18 =	simm.s32 $0xD400;
	v3 =	vadd.s32 v1, v3  }
0x72: {  	[tilespmem:s18], [sflag:$0x2] =	stream.indirect_vreg.gather [hbm4b:s6+s3], $0x80, v4, vm0, $0xb8;
	[tilespmem:$0x18400] =	vst v63  }
0x73: {  	s19 =	simm.s32 $0xDC00;
	s20 =	simm.s32 $0xE400;
	s30 =	simm.s32 $0xEC00  }
0x74: {  	[tilespmem:s19], [sflag:$0x2] =	stream.indirect_vreg.gather [hbm4b:s7+s3], $0x80, v4, vm0, $0xb8;
	[tilespmem:$0x18400] =	vst v63  }
0x75: {  	s8 =	simm.s32 $0x2C00;
	s9 =	simm.s32 $0x3400;
	s10 =	simm.s32 $0x3C00  }
0x76: {  	[tilespmem:s20], [sflag:$0x2] =	stream.indirect_vreg.gather [hbm4b:s1+s3], $0x80, v3, vm0, $0xb8;
	[tilespmem:$0x18400] =	vst v63  }
0x77: {  	s11 =	simm.s32 $0xF400;
	s12 =	simm.s32 $0xFC00;
	s13 =	simm.s32 $0x4400  }
0x78: {  	[tilespmem:s30], [sflag:$0x2] =	stream.indirect_vreg.gather [hbm4b:s5+s3], $0x80, v3, vm0, $0xb8;
	[tilespmem:$0x18400] =	vst v63  }
0x79: {  	s15 =	simm.s32 $0x4C00;
	s16 =	simm.s32 $0x5400;
	s17 =	simm.s32 $0x5C00  }
0x7a: {  	[tilespmem:s11], [sflag:$0x2] =	stream.indirect_vreg.gather [hbm4b:s6+s3], $0x80, v3, vm0, $0xb8;
	[tilespmem:$0x18400] =	vst v63  }
0x7b: {  	s18 =	simm.s32 $0x6400;
	s19 =	simm.s32 $0x6C00;
	s20 =	simm.s32 $0x7400  }
0x7c: {  	[tilespmem:s12], [sflag:$0x2] =	stream.indirect_vreg.gather [hbm4b:s7+s3], $0x80, v3, vm0, $0xb8;
	[tilespmem:$0x18400] =	vst v63  }
.LBB2_2:
0x7d: {  	p0 =	seq.s32 s29, $0x0  }
0x7e: {  	s30 =	simm.s32 @!p0 $0x6  }
0x7f: {  	_ =	swait.ge @!p0 [sflag:s30], $0x8000  }
0x80: {  	[sflag:s30] =	ssyncset.done @!p0 $0x0  }
0x81: {  	[sflag:s30] =	ssyncadd.s32 @!p0 $0xFFFF8000  }
0x82: {  	v3 =	vld [tilespmem:s28+$0xFFFFFFB0];
	_ =	sdelay $0x4  }
0x83: {  	v4 =	vshll.u32 v3, $0x3  }
0x84: {  	v3 =	vand.u32 $0x7, v3;
	v4 =	vand.u32 $0xFFFFFFC0, v4  }
0x85: {  	v3 =	vor.u32 v3, v4  }
0x86: {  	v4 =	vperm.xlane v3, v0;
	_ =	sdelay $0x1  }
0x87: {  	v4 =	vadd.s32 v1, v4;
	_ =	sdelay $0x4  }
0x88: {  	[tilespmem:s21], [sflag:$0x3] =	stream.indirect_vreg.gather [hbm4b:s1+s3], $0x80, v4, vm0, $0xb8;
	[tilespmem:$0x18400] =	vst v63  }
0x89: {  	s30 =	rddreg [dreg:$0x5];
	v3 =	vperm.xlane v3, v2  }
0x8a: {  	[tilespmem:s30], [sflag:$0x3] =	stream.indirect_vreg.gather [hbm4b:s5+s3], $0x80, v4, vm0, $0xb8;
	[tilespmem:$0x18400] =	vst v63  }
0x8b: {  	s0 =	rddreg [dreg:$0x6];
	v3 =	vadd.s32 v1, v3  }
0x8c: {  	[tilespmem:s0], [sflag:$0x3] =	stream.indirect_vreg.gather [hbm4b:s6+s3], $0x80, v4, vm0, $0xb8;
	[tilespmem:$0x18400] =	vst v63  }
0x8d: {  	s30 =	rddreg [dreg:$0x7]  }
0x8e: {  	[tilespmem:s30], [sflag:$0x3] =	stream.indirect_vreg.gather [hbm4b:s7+s3], $0x80, v4, vm0, $0xb8;
	[tilespmem:$0x18400] =	vst v63  }
0x8f: {  	s0 =	rddreg [dreg:$0x8]  }
0x90: {  	[tilespmem:s0], [sflag:$0x3] =	stream.indirect_vreg.gather [hbm4b:s1+s3], $0x80, v3, vm0, $0xb8;
	[tilespmem:$0x18400] =	vst v63  }
0x91: {  	s30 =	rddreg [dreg:$0x9]  }
0x92: {  	[tilespmem:s30], [sflag:$0x3] =	stream.indirect_vreg.gather [hbm4b:s5+s3], $0x80, v3, vm0, $0xb8;
	[tilespmem:$0x18400] =	vst v63  }
0x93: {  	s0 =	rddreg [dreg:$0xa]  }
0x94: {  	[tilespmem:s0], [sflag:$0x3] =	stream.indirect_vreg.gather [hbm4b:s6+s3], $0x80, v3, vm0, $0xb8;
	[tilespmem:$0x18400] =	vst v63  }
0x95: {  	s30 =	rddreg [dreg:$0xb]  }
0x96: {  	[tilespmem:s30], [sflag:$0x3] =	stream.indirect_vreg.gather [hbm4b:s7+s3], $0x80, v3, vm0, $0xb8;
	[tilespmem:$0x18400] =	vst v63  }
0x97: {  	v3 =	vld [tilespmem:s28+$0xFFFFFFC0];
	_ =	sdelay $0x4  }
0x98: {  	v59 =	vshll.u32 v3, $0x3  }
0x99: {  	v3 =	vand.u32 $0x7, v3;
	v4 =	vand.u32 $0xFFFFFFC0, v59  }
0x9a: {  	v3 =	vor.u32 v3, v4  }
0x9b: {  	v4 =	vperm.xlane v3, v0;
	_ =	sdelay $0x1  }
0x9c: {  	v4 =	vadd.s32 v1, v4;
	_ =	sdelay $0x3  }
0x9d: {  	s0 =	rddreg [dreg:$0xc]  }
0x9e: {  	[tilespmem:s0], [sflag:$0x3] =	stream.indirect_vreg.gather [hbm4b:s1+s3], $0x80, v4, vm0, $0xb8;
	[tilespmem:$0x18400] =	vst v63  }
0x9f: {  	s30 =	rddreg [dreg:$0xd];
	v3 =	vperm.xlane v3, v2  }
0xa0: {  	[tilespmem:s30], [sflag:$0x3] =	stream.indirect_vreg.gather [hbm4b:s5+s3], $0x80, v4, vm0, $0xb8;
	[tilespmem:$0x18400] =	vst v63  }
0xa1: {  	v3 =	vadd.s32 v1, v3;
	s0 =	rddreg [dreg:$0xe]  }
0xa2: {  	[tilespmem:s0], [sflag:$0x3] =	stream.indirect_vreg.gather [hbm4b:s6+s3], $0x80, v4, vm0, $0xb8;
	[tilespmem:$0x18400] =	vst v63  }
0xa3: {  	s30 =	rddreg [dreg:$0xf]  }
0xa4: {  	[tilespmem:s30], [sflag:$0x3] =	stream.indirect_vreg.gather [hbm4b:s7+s3], $0x80, v4, vm0, $0xb8;
	[tilespmem:$0x18400] =	vst v63  }
0xa5: {  	s0 =	rddreg [dreg:$0x10]  }
0xa6: {  	[tilespmem:s0], [sflag:$0x3] =	stream.indirect_vreg.gather [hbm4b:s1+s3], $0x80, v3, vm0, $0xb8;
	[tilespmem:$0x18400] =	vst v63  }
0xa7: {  	s30 =	rddreg [dreg:$0x11]  }
0xa8: {  	[tilespmem:s30], [sflag:$0x3] =	stream.indirect_vreg.gather [hbm4b:s5+s3], $0x80, v3, vm0, $0xb8;
	[tilespmem:$0x18400] =	vst v63  }
0xa9: {  	s0 =	rddreg [dreg:$0x12]  }
0xaa: {  	[tilespmem:s0], [sflag:$0x3] =	stream.indirect_vreg.gather [hbm4b:s6+s3], $0x80, v3, vm0, $0xb8;
	[tilespmem:$0x18400] =	vst v63  }
0xab: {  	s30 =	rddreg [dreg:$0x13]  }
0xac: {  	[tilespmem:s30], [sflag:$0x3] =	stream.indirect_vreg.gather [hbm4b:s7+s3], $0x80, v3, vm0, $0xb8;
	[tilespmem:$0x18400] =	vst v63  }
0xad: {  	_ =	swait.ge [sflag:s22], $0x8000  }
0xae: {  	s30 =	rddreg [dreg:$0x4];
	[sflag:s22] =	ssyncset.done $0x0  }
0xaf: {  	[sflag:s22] =	ssyncadd.s32 $0xFFFF8000;
	s30 =	sadd.s32 s29, s30  }
0xb0: {  	[hbm4b:s30+s3] =	stream.linear.scatter [tilespmem:s14], [sflag:$0x4], $0x8000, $0x38;
	[tilespmem:$0x18400] =	vst v63  }
0xb1: {  	_ =	swait.ge [sflag:s23], $0x8000  }
0xb2: {  	[sflag:s23] =	ssyncset.done $0x0  }
0xb3: {  	[sflag:s23] =	ssyncadd.s32 $0xFFFF8000  }
0xb4: {  	v3 =	vld [tilespmem:s28+$0xFFFFFFD0];
	_ =	sdelay $0x4  }
0xb5: {  	v60 =	vshll.u32 v3, $0x3  }
0xb6: {  	v3 =	vand.u32 $0x7, v3;
	v4 =	vand.u32 $0xFFFFFFC0, v60  }
0xb7: {  	v3 =	vor.u32 v3, v4  }
0xb8: {  	v4 =	vperm.xlane v3, v0;
	_ =	sdelay $0x1  }
0xb9: {  	v4 =	vadd.s32 v1, v4;
	_ =	sdelay $0x4  }
0xba: {  	[tilespmem:s14], [sflag:$0x1] =	stream.indirect_vreg.gather [hbm4b:s1+s3], $0x80, v4, vm0, $0xb8;
	[tilespmem:$0x18400] =	vst v63  }
0xbb: {  	s0 =	simm.s32 $0xC00;
	v3 =	vperm.xlane v3, v2  }
0xbc: {  	[tilespmem:s0], [sflag:$0x1] =	stream.indirect_vreg.gather [hbm4b:s5+s3], $0x80, v4, vm0, $0xb8;
	[tilespmem:$0x18400] =	vst v63  }
0xbd: {  	v3 =	vadd.s32 v1, v3;
	s0 =	simm.s32 $0x1400  }
0xbe: {  	[tilespmem:s0], [sflag:$0x1] =	stream.indirect_vreg.gather [hbm4b:s6+s3], $0x80, v4, vm0, $0xb8;
	[tilespmem:$0x18400] =	vst v63  }
0xbf: {  	s0 =	simm.s32 $0x1C00  }
0xc0: {  	[tilespmem:s0], [sflag:$0x1] =	stream.indirect_vreg.gather [hbm4b:s7+s3], $0x80, v4, vm0, $0xb8;
	[tilespmem:$0x18400] =	vst v63  }
0xc1: {  	_ = 	snop  }
0xc2: {  	[tilespmem:s4], [sflag:$0x1] =	stream.indirect_vreg.gather [hbm4b:s1+s3], $0x80, v3, vm0, $0xb8;
	[tilespmem:$0x18400] =	vst v63  }
0xc3: {  	_ = 	snop  }
0xc4: {  	[tilespmem:s8], [sflag:$0x1] =	stream.indirect_vreg.gather [hbm4b:s5+s3], $0x80, v3, vm0, $0xb8;
	[tilespmem:$0x18400] =	vst v63  }
0xc5: {  	_ = 	snop  }
0xc6: {  	[tilespmem:s9], [sflag:$0x1] =	stream.indirect_vreg.gather [hbm4b:s6+s3], $0x80, v3, vm0, $0xb8;
	[tilespmem:$0x18400] =	vst v63  }
0xc7: {  	_ = 	snop  }
0xc8: {  	[tilespmem:s10], [sflag:$0x1] =	stream.indirect_vreg.gather [hbm4b:s7+s3], $0x80, v3, vm0, $0xb8;
	[tilespmem:$0x18400] =	vst v63  }
0xc9: {  	v3 =	vld [tilespmem:s28+$0xFFFFFFE0];
	_ =	sdelay $0x4  }
0xca: {  	v61 =	vshll.u32 v3, $0x3  }
0xcb: {  	v3 =	vand.u32 $0x7, v3;
	v4 =	vand.u32 $0xFFFFFFC0, v61  }
0xcc: {  	v3 =	vor.u32 v3, v4  }
0xcd: {  	v4 =	vperm.xlane v3, v0;
	_ =	sdelay $0x1  }
0xce: {  	v4 =	vadd.s32 v1, v4;
	_ =	sdelay $0x4  }
0xcf: {  	[tilespmem:s13], [sflag:$0x1] =	stream.indirect_vreg.gather [hbm4b:s1+s3], $0x80, v4, vm0, $0xb8;
	[tilespmem:$0x18400] =	vst v63  }
0xd0: {  	v3 =	vperm.xlane v3, v2  }
0xd1: {  	[tilespmem:s15], [sflag:$0x1] =	stream.indirect_vreg.gather [hbm4b:s5+s3], $0x80, v4, vm0, $0xb8;
	[tilespmem:$0x18400] =	vst v63  }
0xd2: {  	v3 =	vadd.s32 v1, v3  }
0xd3: {  	[tilespmem:s16], [sflag:$0x1] =	stream.indirect_vreg.gather [hbm4b:s6+s3], $0x80, v4, vm0, $0xb8;
	[tilespmem:$0x18400] =	vst v63  }
0xd4: {  	_ = 	snop  }
0xd5: {  	[tilespmem:s17], [sflag:$0x1] =	stream.indirect_vreg.gather [hbm4b:s7+s3], $0x80, v4, vm0, $0xb8;
	[tilespmem:$0x18400] =	vst v63  }
0xd6: {  	_ = 	snop  }
0xd7: {  	[tilespmem:s18], [sflag:$0x1] =	stream.indirect_vreg.gather [hbm4b:s1+s3], $0x80, v3, vm0, $0xb8;
	[tilespmem:$0x18400] =	vst v63  }
0xd8: {  	_ = 	snop  }
0xd9: {  	[tilespmem:s19], [sflag:$0x1] =	stream.indirect_vreg.gather [hbm4b:s5+s3], $0x80, v3, vm0, $0xb8;
	[tilespmem:$0x18400] =	vst v63  }
0xda: {  	_ = 	snop  }
0xdb: {  	[tilespmem:s20], [sflag:$0x1] =	stream.indirect_vreg.gather [hbm4b:s6+s3], $0x80, v3, vm0, $0xb8;
	[tilespmem:$0x18400] =	vst v63  }
0xdc: {  	_ = 	snop  }
0xdd: {  	[tilespmem:s2], [sflag:$0x1] =	stream.indirect_vreg.gather [hbm4b:s7+s3], $0x80, v3, vm0, $0xb8;
	[tilespmem:$0x18400] =	vst v63  }
0xde: {  	_ =	swait.ge [sflag:s24], $0x8000  }
0xdf: {  	[sflag:s24] =	ssyncset.done $0x0  }
0xe0: {  	s0 =	sadd.s32 $0x1000, s30;
	[sflag:s24] =	ssyncadd.s32 $0xFFFF8000  }
0xe1: {  	[hbm4b:s0+s3] =	stream.linear.scatter [tilespmem:s31], [sflag:$0x5], $0x8000, $0x38;
	[tilespmem:$0x18400] =	vst v63  }
0xe2: {  	_ =	swait.ge [sflag:s25], $0x8000  }
0xe3: {  	[sflag:s25] =	ssyncset.done $0x0  }
0xe4: {  	[sflag:s25] =	ssyncadd.s32 $0xFFFF8000  }
0xe5: {  	v3 =	vld [tilespmem:s28+$0xFFFFFFF0];
	_ =	sdelay $0x4  }
0xe6: {  	v62 =	vshll.u32 v3, $0x3  }
0xe7: {  	v3 =	vand.u32 $0x7, v3;
	v4 =	vand.u32 $0xFFFFFFC0, v62  }
0xe8: {  	v3 =	vor.u32 v3, v4  }
0xe9: {  	v4 =	vperm.xlane v3, v0;
	_ =	sdelay $0x1  }
0xea: {  	v4 =	vadd.s32 v1, v4;
	_ =	sdelay $0x4  }
0xeb: {  	[tilespmem:s31], [sflag:$0x2] =	stream.indirect_vreg.gather [hbm4b:s1+s3], $0x80, v4, vm0, $0xb8;
	[tilespmem:$0x18400] =	vst v63  }
0xec: {  	s0 =	simm.s32 $0x8C00;
	v3 =	vperm.xlane v3, v2  }
0xed: {  	[tilespmem:s0], [sflag:$0x2] =	stream.indirect_vreg.gather [hbm4b:s5+s3], $0x80, v4, vm0, $0xb8;
	[tilespmem:$0x18400] =	vst v63  }
0xee: {  	v3 =	vadd.s32 v1, v3;
	s0 =	simm.s32 $0x9400  }
0xef: {  	[tilespmem:s0], [sflag:$0x2] =	stream.indirect_vreg.gather [hbm4b:s6+s3], $0x80, v4, vm0, $0xb8;
	[tilespmem:$0x18400] =	vst v63  }
0xf0: {  	s0 =	simm.s32 $0x9C00  }
0xf1: {  	[tilespmem:s0], [sflag:$0x2] =	stream.indirect_vreg.gather [hbm4b:s7+s3], $0x80, v4, vm0, $0xb8;
	[tilespmem:$0x18400] =	vst v63  }
0xf2: {  	s0 =	simm.s32 $0xA400  }
0xf3: {  	[tilespmem:s0], [sflag:$0x2] =	stream.indirect_vreg.gather [hbm4b:s1+s3], $0x80, v3, vm0, $0xb8;
	[tilespmem:$0x18400] =	vst v63  }
0xf4: {  	s0 =	simm.s32 $0xAC00  }
0xf5: {  	[tilespmem:s0], [sflag:$0x2] =	stream.indirect_vreg.gather [hbm4b:s5+s3], $0x80, v3, vm0, $0xb8;
	[tilespmem:$0x18400] =	vst v63  }
0xf6: {  	s0 =	simm.s32 $0xB400  }
0xf7: {  	[tilespmem:s0], [sflag:$0x2] =	stream.indirect_vreg.gather [hbm4b:s6+s3], $0x80, v3, vm0, $0xb8;
	[tilespmem:$0x18400] =	vst v63  }
0xf8: {  	s0 =	simm.s32 $0xBC00  }
0xf9: {  	[tilespmem:s0], [sflag:$0x2] =	stream.indirect_vreg.gather [hbm4b:s7+s3], $0x80, v3, vm0, $0xb8;
	[tilespmem:$0x18400] =	vst v63  }
0xfa: {  	v3 =	vld [tilespmem:s28+$0x0];
	_ =	sdelay $0x4  }
0xfb: {  	v63 =	vshll.u32 v3, $0x3  }
0xfc: {  	v3 =	vand.u32 $0x7, v3;
	v4 =	vand.u32 $0xFFFFFFC0, v63  }
0xfd: {  	v3 =	vor.u32 v3, v4  }
0xfe: {  	v4 =	vperm.xlane v3, v0;
	_ =	sdelay $0x1  }
0xff: {  	v4 =	vadd.s32 v1, v4;
	_ =	sdelay $0x3  }
0x100: {  	s0 =	simm.s32 $0xC400  }
0x101: {  	[tilespmem:s0], [sflag:$0x2] =	stream.indirect_vreg.gather [hbm4b:s1+s3], $0x80, v4, vm0, $0xb8;
	[tilespmem:$0x18400] =	vst v63  }
0x102: {  	v3 =	vperm.xlane v3, v2;
	s0 =	simm.s32 $0xCC00  }
0x103: {  	[tilespmem:s0], [sflag:$0x2] =	stream.indirect_vreg.gather [hbm4b:s5+s3], $0x80, v4, vm0, $0xb8;
	[tilespmem:$0x18400] =	vst v63  }
0x104: {  	v3 =	vadd.s32 v1, v3;
	s0 =	simm.s32 $0xD400  }
0x105: {  	[tilespmem:s0], [sflag:$0x2] =	stream.indirect_vreg.gather [hbm4b:s6+s3], $0x80, v4, vm0, $0xb8;
	[tilespmem:$0x18400] =	vst v63  }
0x106: {  	s0 =	simm.s32 $0xDC00  }
0x107: {  	[tilespmem:s0], [sflag:$0x2] =	stream.indirect_vreg.gather [hbm4b:s7+s3], $0x80, v4, vm0, $0xb8;
	[tilespmem:$0x18400] =	vst v63  }
0x108: {  	s0 =	simm.s32 $0xE400  }
0x109: {  	[tilespmem:s0], [sflag:$0x2] =	stream.indirect_vreg.gather [hbm4b:s1+s3], $0x80, v3, vm0, $0xb8;
	[tilespmem:$0x18400] =	vst v63  }
0x10a: {  	s0 =	simm.s32 $0xEC00  }
0x10b: {  	[tilespmem:s0], [sflag:$0x2] =	stream.indirect_vreg.gather [hbm4b:s5+s3], $0x80, v3, vm0, $0xb8;
	[tilespmem:$0x18400] =	vst v63  }
0x10c: {  	s29 =	sadd.s32 $0x3000, s29  }
0x10d: {  	[tilespmem:s11], [sflag:$0x2] =	stream.indirect_vreg.gather [hbm4b:s6+s3], $0x80, v3, vm0, $0xb8;
	[tilespmem:$0x18400] =	vst v63  }
0x10e: {  	p0 =	sne.s32 s29, $0x1E000  }
0x10f: {  	[tilespmem:s12], [sflag:$0x2] =	stream.indirect_vreg.gather [hbm4b:s7+s3], $0x80, v3, vm0, $0xb8;
	[tilespmem:$0x18400] =	vst v63  }
.Ltmp0:
0x110: {  	_ = 	snop;
	(pc) =	sbr.rel @p0 .LBB2_2-.Ltmp0, $4  }
0x111: {  	_ =	swait.ge [sflag:s26], $0x8000  }
0x112: {  	[sflag:s26] =	ssyncset.done $0x0  }
0x113: {  	s30 =	sadd.s32 $0x2000, s30;
	s28 =	sadd.s32 $0x60, s28;
	[sflag:s26] =	ssyncadd.s32 $0xFFFF8000  }
0x114: {  	[hbm4b:s30+s3] =	stream.linear.scatter [tilespmem:s21], [sflag:$0x6], $0x8000, $0x38;
	[tilespmem:$0x18400] =	vst v63  }
0x115: {  	_ =	swait.ge [sflag:s22], $0x8000  }
0x116: {  	[sflag:s22] =	ssyncset.done $0x0  }
0x117: {  	s0 =	rddreg [dreg:$0x15];
	[sflag:s22] =	ssyncadd.s32 $0xFFFF8000  }
0x118: {  	[hbm4b:s0+s3] =	stream.linear.scatter [tilespmem:s14], [sflag:$0x4], $0x8000, $0x38;
	[tilespmem:$0x18400] =	vst v63  }
0x119: {  	_ =	swait.ge [sflag:s24], $0x8000  }
0x11a: {  	[sflag:s24] =	ssyncset.done $0x0  }
0x11b: {  	s20 =	simm.s32 $0x6;
	s19 =	rddreg [dreg:$0x16];
	[sflag:s24] =	ssyncadd.s32 $0xFFFF8000  }
0x11c: {  	[hbm4b:s19+s3] =	stream.linear.scatter [tilespmem:s31], [sflag:$0x5], $0x8000, $0x38;
	[tilespmem:$0x18400] =	vst v63  }
0x11d: {  	_ =	swait.ge [sflag:s20], $0x8000  }
0x11e: {  	[sflag:s20] =	ssyncset.done $0x0  }
0x11f: {  	[sflag:s20] =	ssyncadd.s32 $0xFFFF8000  }
0x120: {  	_ =	swait.ge [sflag:s23], $0x8000  }
0x121: {  	[sflag:s23] =	ssyncset.done $0x0  }
0x122: {  	[sflag:s23] =	ssyncadd.s32 $0xFFFF8000  }
0x123: {  	_ =	swait.ge [sflag:s25], $0x8000  }
0x124: {  	s28 =	rddreg [dreg:$0x18]  }
0x125: {  	s2 =	simm.s32 $0xC00;
	s29 =	rddreg [dreg:$0x17];
	s28 =	sadd.s32 $0x1, s28  }
0x126: {  	s11 =	simm.s32 $0x1400;
	s12 =	simm.s32 $0x1C00;
	p0 =	sne.s32 s28, s29  }
.Ltmp1:
0x127: {  	s4 =	simm.s32 $0x2400;
	s8 =	simm.s32 $0x2C00;
	(pc) =	sbr.rel @p0 .LBB2_1-.Ltmp1, $4  }
0x128: {  	s9 =	simm.s32 $0x3400;
	s10 =	simm.s32 $0x3C00;
	s13 =	simm.s32 $0x4400  }
0x129: {  	s15 =	simm.s32 $0x4C00;
	s16 =	simm.s32 $0x5400;
	s17 =	simm.s32 $0x5C00  }
0x12a: {  	s18 =	simm.s32 $0x6400;
	s30 =	simm.s32 $0x7C00;
	[sflag:s25] =	ssyncset.done $0x0  }
0x12b: {  	s19 =	simm.s32 $0x6C00;
	s20 =	simm.s32 $0x7400;
	[sflag:s25] =	ssyncadd.s32 $0xFFFF8000  }
0x12c: {  	_ =	sfence.sel $0x180000  }
0x12d: {  	[bflag:$0x0] =	sbarrier.arrive $0xFFFF  }
0x12e: {  	_ =	strace $0x90000047  }
0x12f: {  	s0 =	stileid.u32;
	[bflag:$0x2] =	sbarrier.arrive $0xFFFF  }
0x130: {  	p0 =	sne.s32 s0, $0x0;
	s0 =	rddreg [dreg:$0x3]  }
0x131: {  	s0 =	sadd.s32 @!p0 $0x100000, s0  }
0x132: {  	[sflag:s0] =	ssyncadd.tile.s32 @!p0 $0x1;
	_ =	shalt  }
.Lfunc_end2:
_tile_overlayer_lowered:
.L_overlay_start_2:
0x133: {  	(tag) =	ssettag $0x2  }
0x134: {  	s0 =	rddreg [dreg:$0x0];
	s2 =	stileid.u32  }
0x135: {  	s1 =	rddreg [dreg:$0x1];
	p0 =	sne.s32 s2, $0x0  }
0x136: {  	s3 =	rddreg [dreg:$0x2];
	[bflag:$0x3] =	sbarrier.arrive $0xFFFF;
	s2 =	simm.s32 @!p0 $0x1C07  }
0x137: {  	[timem:s3], [sflag:s2] =	dma.local @!p0 [hbm:s0], s1  }
0x138: {  	s0 =	simm.s32 @!p0 $0x7  }
0x139: {  	_ =	swait.ge @!p0 [sflag:s0], s1  }
0x13a: {  	s1 =	ssub.s32 @!p0 $0x0, s1;
	[sflag:s0] =	ssyncset.done @!p0 $0x0  }
0x13b: {  	[sflag:s0] =	ssyncadd.s32 @!p0 s1  }
0x13c: {  	[bflag:$0x3] =	sbarrier.arrive $0xFFFF  }
0x13d: {  	_ =	shalt  }

</sc_bundles>
